<compile_context>
chip_gen: v7x
topology: tpu7x:2x2x1
jax: 0.10.2.dev20260603
libtpu: 0.0.44.dev20260713+nightly
codegen_flags: <defaults>
</compile_context>

<pallas_src>
import functools

import jax
import jax.numpy as jnp
from jax import lax
from jax.experimental import pallas as pl
from jax.experimental.pallas import tpu as pltpu
from jax.experimental.pallas import tpu_sc as plsc

N_NODES = 10000
N_EDGES = 320000
D = 128
N_POOL = 8

NC = 2
NS = 16
NW = NC * NS
EPT = N_EDGES // NW
CHUNK = 80
NCHUNKS = EPT // CHUNK
RPT = 624
RTAIL = N_NODES - NS * RPT

_mesh = plsc.VectorSubcoreMesh(
    core_axis_name="c", subcore_axis_name="s", num_cores=NC, num_subcores=NS
)


@functools.partial(
    pl.kernel,
    out_type=jax.ShapeDtypeStruct((NC * N_NODES, D), jnp.float32),
    mesh=_mesh,
    scratch_types=[
        pltpu.VMEM((3, CHUNK), jnp.int32),
        pltpu.VMEM((NCHUNKS, CHUNK), jnp.int32),
        pltpu.VMEM((3, CHUNK, D), jnp.float32),
        pltpu.VMEM_SHARED((N_NODES, D), jnp.float32),
        [pltpu.SemaphoreType.DMA] * 3,
        [pltpu.SemaphoreType.DMA] * 3,
        [pltpu.SemaphoreType.DMA] * 3,
        pltpu.SemaphoreType.DMA,
    ],
)
def _sc_aggregate(x_hbm, src_hbm, dst_hbm, z_hbm, out_hbm,
                  sbuf, dsti, rows, acc, isems, gsems, ssems, zsem):
    c = lax.axis_index("c")
    s = lax.axis_index("s")
    wid = c * NS + s
    ebase = pl.multiple_of(wid * EPT, 8)
    pltpu.async_copy(z_hbm.at[pl.ds(0, RPT)], acc.at[pl.ds(s * RPT, RPT)],
                     zsem)

    @pl.when(s == 0)
    def _():
        pltpu.async_copy(z_hbm.at[pl.ds(0, RTAIL)],
                         acc.at[pl.ds(NS * RPT, RTAIL)], zsem)

    pltpu.sync_copy(dst_hbm.at[wid], dsti)

    def iload(j, k):
        pltpu.async_copy(
            src_hbm.at[pl.ds(pl.multiple_of(ebase + j * CHUNK, 8), CHUNK)],
            sbuf.at[k], isems[k])

    def iwait(k):
        pltpu.make_async_copy(
            src_hbm.at[pl.ds(0, CHUNK)], sbuf.at[k], isems[k]).wait()

    def gwait(k):
        pltpu.make_async_copy(
            x_hbm.at[sbuf.at[k]], rows.at[k], gsems[k]).wait()

    def swait(k):
        pltpu.make_async_copy(
            rows.at[k], acc.at[dsti.at[0]], ssems[k]).wait()

    iload(0, 0)
    iload(1, 1)
    iwait(0)
    pltpu.async_copy(x_hbm.at[sbuf.at[0]], rows.at[0], gsems[0])

    pltpu.make_async_copy(
        z_hbm.at[pl.ds(0, RPT)], acc.at[pl.ds(s * RPT, RPT)], zsem).wait()

    @pl.when(s == 0)
    def _():
        pltpu.make_async_copy(
            z_hbm.at[pl.ds(0, RTAIL)], acc.at[pl.ds(NS * RPT, RTAIL)],
            zsem).wait()

    plsc.subcore_barrier()

    def step(j, carry):
        @pl.when(j + 2 < NCHUNKS)
        def _():
            for k in range(3):
                @pl.when(lax.rem(j + 2, 3) == k)
                def _(k=k):
                    iload(j + 2, k)

        @pl.when(j + 1 < NCHUNKS)
        def _():
            for k in range(3):
                @pl.when(lax.rem(j + 1, 3) == k)
                def _(k=k):
                    @pl.when(j >= 2)
                    def _():
                        swait(k)
                    iwait(k)
                    pltpu.async_copy(
                        x_hbm.at[sbuf.at[k]], rows.at[k], gsems[k])

        for k in range(3):
            @pl.when(lax.rem(j, 3) == k)
            def _(k=k):
                gwait(k)
                pltpu.async_copy(
                    rows.at[k], acc.at[dsti.at[j]], ssems[k], add=True)

        return carry

    lax.fori_loop(0, NCHUNKS, step, 0)
    swait((NCHUNKS - 2) % 3)
    swait((NCHUNKS - 1) % 3)
    plsc.subcore_barrier()
    row0 = pl.multiple_of(c * N_NODES + s * RPT, 8)
    pltpu.sync_copy(acc.at[pl.ds(s * RPT, RPT)], out_hbm.at[pl.ds(row0, RPT)])

    @pl.when(s == 0)
    def _():
        r0 = pl.multiple_of(c * N_NODES + NS * RPT, 8)
        pltpu.sync_copy(acc.at[pl.ds(NS * RPT, RTAIL)],
                        out_hbm.at[pl.ds(r0, RTAIL)])


BLK = N_NODES
GRID = N_NODES // BLK


def _dense_relu_body(pp, x, wrel, wroot, b, out):
    p = pp[...]
    acc = jnp.dot(p[:N_NODES] + p[N_NODES:], wrel[...],
                  preferred_element_type=jnp.float32)
    acc = acc + jnp.dot(x[...], wroot[...],
                        preferred_element_type=jnp.float32)
    acc = acc + b[...]
    out[...] = jnp.maximum(acc, 0.0)


_dense_relu = pl.pallas_call(
    _dense_relu_body,
    grid=(GRID,),
    in_specs=[
        pl.BlockSpec((NC * N_NODES, D), lambda i: (0, 0)),
        pl.BlockSpec((BLK, D), lambda i: (i, 0)),
        pl.BlockSpec((D, D), lambda i: (0, 0)),
        pl.BlockSpec((D, D), lambda i: (0, 0)),
        pl.BlockSpec((1, D), lambda i: (0, 0)),
    ],
    out_specs=pl.BlockSpec((BLK, D), lambda i: (i, 0)),
    out_shape=jax.ShapeDtypeStruct((N_NODES, D), jnp.float32),
)


def _dense_pool_body(qq, h, wrel, wroot, b, bat, pooled):
    i = pl.program_id(0)
    q = qq[...]
    out = jnp.dot(q[:N_NODES] + q[N_NODES:], wrel[...],
                  preferred_element_type=jnp.float32)
    out = out + jnp.dot(h[...], wroot[...],
                        preferred_element_type=jnp.float32)
    out = out + b[...]

    @pl.when(i == 0)
    def _():
        pooled[...] = jnp.full((N_POOL, D), -jnp.inf, jnp.float32)

    bt = bat[...]
    rows = [jnp.max(jnp.where(bt == g, out, -jnp.inf), axis=0)
            for g in range(N_POOL)]
    pooled[...] = jnp.maximum(pooled[...], jnp.stack(rows, axis=0))


_dense_pool = pl.pallas_call(
    _dense_pool_body,
    grid=(GRID,),
    in_specs=[
        pl.BlockSpec((NC * N_NODES, D), lambda i: (0, 0)),
        pl.BlockSpec((BLK, D), lambda i: (i, 0)),
        pl.BlockSpec((D, D), lambda i: (0, 0)),
        pl.BlockSpec((D, D), lambda i: (0, 0)),
        pl.BlockSpec((1, D), lambda i: (0, 0)),
        pl.BlockSpec((BLK, 1), lambda i: (i, 0)),
    ],
    out_specs=pl.BlockSpec((N_POOL, D), lambda i: (0, 0)),
    out_shape=jax.ShapeDtypeStruct((N_POOL, D), jnp.float32),
)


def kernel(x, edge_index, batch, W_rel1, W_root1, b1, W_rel2, W_root2, b2):
    x = x.astype(jnp.float32)
    src = edge_index[0].astype(jnp.int32)
    dst = edge_index[1].astype(jnp.int32).reshape(NW, NCHUNKS, CHUNK)
    bat = batch.astype(jnp.int32).reshape(N_NODES, 1)
    zrows = jnp.zeros((RPT, D), jnp.float32)
    b1r = b1.reshape(1, D)
    b2r = b2.reshape(1, D)

    agg1 = _sc_aggregate(x, src, dst, zrows)
    h = _dense_relu(agg1, x, W_rel1, W_root1, b1r)
    agg2 = _sc_aggregate(h, src, dst, zrows)
    pooled = _dense_pool(agg2, h, W_rel2, W_root2, b2r, bat)
    return pooled

# --- scband reference (transcript-rebuilt; emitter-appended) ---
"""Pipeline reference for scband-graph-convolutional-network-31009663877670 (READ-ONLY COPY).

The authoritative reference and input builder live on the scoring server;
editing this copy changes nothing except your own understanding.
"""

import jax, jax.numpy as jnp
import numpy as np

N_NODES = 10000
N_EDGES = 320000
D = 128
N_GRAPHS = 8


def setup_inputs(seed: int = 0) -> dict:
    key = jax.random.key(seed)
    ks = jax.random.split(key, 10)
    x = jax.random.normal(ks[0], (N_NODES, D), dtype=jnp.float32)
    edge_index = jax.random.randint(ks[1], (2, N_EDGES), 0, N_NODES, dtype=jnp.int64)
    batch = jnp.sort(jax.random.randint(ks[2], (N_NODES,), 0, N_GRAPHS, dtype=jnp.int64))
    s = 1.0 / np.sqrt(D)
    W_rel1 = jax.random.normal(ks[3], (D, D), dtype=jnp.float32) * s
    W_root1 = jax.random.normal(ks[4], (D, D), dtype=jnp.float32) * s
    b1 = jax.random.normal(ks[5], (D,), dtype=jnp.float32) * s
    W_rel2 = jax.random.normal(ks[6], (D, D), dtype=jnp.float32) * s
    W_root2 = jax.random.normal(ks[7], (D, D), dtype=jnp.float32) * s
    b2 = jax.random.normal(ks[8], (D,), dtype=jnp.float32) * s
    return {"x": x, "edge_index": edge_index, "batch": batch,
            "W_rel1": W_rel1, "W_root1": W_root1, "b1": b1,
            "W_rel2": W_rel2, "W_root2": W_root2, "b2": b2}


def _graph_conv(x, src, dst, n_nodes, W_rel, W_root, b):
    # PyG GraphConv: out = lin_rel(sum_{j in N(i)} x_j) + lin_root(x_i)
    agg = jax.ops.segment_sum(x[src], dst, num_segments=n_nodes)
    return agg @ W_rel + b + x @ W_root


def reference(x, edge_index, batch, W_rel1, W_root1, b1, W_rel2, W_root2, b2):
    x = x.astype(jnp.float32)
    src = edge_index[0]
    dst = edge_index[1]
    n_nodes = x.shape[0]
    # layer 1 + ReLU (dropout p=0.0 -> identity)
    h = _graph_conv(x, src, dst, n_nodes, W_rel1, W_root1, b1)
    h = jax.nn.relu(h)
    # layer 2 (no activation)
    out = _graph_conv(h, src, dst, n_nodes, W_rel2, W_root2, b2)
    # global max pool over graphs in batch
    pooled = jax.ops.segment_max(out, batch, num_segments=N_GRAPHS)
    return pooled

if __name__ == "__main__":
    import jax
    _d = setup_inputs()
    print(jax.jit(kernel)(*tuple(_d.values())))

</pallas_src>

<mosaic_0001>
#map = affine_map<(d0, d1) -> (0, 0)>
#map1 = affine_map<(d0, d1) -> (0)>
#map2 = affine_map<(d0, d1) -> (0, 0, 0)>
module attributes {stable_mosaic.version = 14 : i64} {
  func.func @_sc_aggregate(%arg0: i32, %arg1: i32, %arg2: memref<10000x128xf32, #tpu.memory_space<hbm>>, %arg3: memref<320000xi32, #tpu.memory_space<hbm>>, %arg4: memref<32x125x80xi32, #tpu.memory_space<hbm>>, %arg5: memref<624x128xf32, #tpu.memory_space<hbm>>, %arg6: memref<20000x128xf32, #tpu.memory_space<hbm>>, %arg7: memref<3x80xi32, #tpu.memory_space<vmem>>, %arg8: memref<125x80xi32, #tpu.memory_space<vmem>>, %arg9: memref<3x80x128xf32, #tpu.memory_space<vmem>>, %arg10: memref<10000x128xf32, #tpu.memory_space<vmem_shared>>, %arg11: memref<!tpu.dma_semaphore, #tpu.memory_space<semaphore_mem>>, %arg12: memref<!tpu.dma_semaphore, #tpu.memory_space<semaphore_mem>>, %arg13: memref<!tpu.dma_semaphore, #tpu.memory_space<semaphore_mem>>, %arg14: memref<!tpu.dma_semaphore, #tpu.memory_space<semaphore_mem>>, %arg15: memref<!tpu.dma_semaphore, #tpu.memory_space<semaphore_mem>>, %arg16: memref<!tpu.dma_semaphore, #tpu.memory_space<semaphore_mem>>, %arg17: memref<!tpu.dma_semaphore, #tpu.memory_space<semaphore_mem>>, %arg18: memref<!tpu.dma_semaphore, #tpu.memory_space<semaphore_mem>>, %arg19: memref<!tpu.dma_semaphore, #tpu.memory_space<semaphore_mem>>, %arg20: memref<!tpu.dma_semaphore, #tpu.memory_space<semaphore_mem>>) attributes {dimension_semantics = [#tpu.dimension_semantics<core_parallel>, #tpu.dimension_semantics<subcore_parallel>], iteration_bounds = array<i64: 2, 16>, scalar_prefetch = 0 : i64, scratch_operands = 14 : i64, tpu.core_type = #tpu.core_type<sc_vector_subcore>, window_params = [{transform_indices = #map}, {transform_indices = #map1}, {transform_indices = #map2}, {transform_indices = #map}, {transform_indices = #map}]} {
    %mul3A = arith.constant 16 : i32
    %mul3A_0 = arith.muli %arg0, %mul3A : i32
    %add3A = arith.addi %mul3A_0, %arg1 : i32
    %mul3A_1 = arith.constant 10000 : i32
    %mul3A_2 = arith.muli %add3A, %mul3A_1 : i32
    %multiple_of3A = tpu.assume_multiple %mul3A_2, 8 : i32
    %mul3A_3 = arith.constant 624 : i32
    %mul3A_4 = arith.muli %arg1, %mul3A_3 : i32
    %dma_start3A = arith.constant 0 : i32
    %dma_start3A_5 = tpu.memref_slice %arg10[%mul3A_4, %dma_start3A] : memref<10000x128xf32, #tpu.memory_space<vmem_shared>> -> memref<624x128xf32, #tpu.memory_space<vmem_shared>>
    %dma_start3A_6 = arith.constant 0 : i32
    %dma_start3A_7 = arith.constant 0 : i32
    %dma_start3A_8 = tpu.memref_slice %arg5[%dma_start3A_6, %dma_start3A_7] : memref<624x128xf32, #tpu.memory_space<hbm>> -> memref<624x128xf32, #tpu.memory_space<hbm>>
    tpu.enqueue_dma source(%dma_start3A_8 : memref<624x128xf32, #tpu.memory_space<hbm>>) target(%dma_start3A_5 : memref<624x128xf32, #tpu.memory_space<vmem_shared>>) target_semaphore(%arg20 : memref<!tpu.dma_semaphore, #tpu.memory_space<semaphore_mem>>)
    %eq3A = arith.constant 0 : i32
    %eq3A_9 = arith.cmpi eq, %arg1, %eq3A : i32
    %convert_element_type3A = arith.extui %eq3A_9 : i1 to i32
    %cond3A = arith.constant 0 : i32
    %cond3A_10 = arith.cmpi ne, %convert_element_type3A, %cond3A : i32
    scf.if %cond3A_10 {
      %dma_start3A_112 = arith.constant 9984 : i32
      %dma_start3A_113 = arith.constant 0 : i32
      %dma_start3A_114 = tpu.memref_slice %arg10[%dma_start3A_112, %dma_start3A_113] : memref<10000x128xf32, #tpu.memory_space<vmem_shared>> -> memref<16x128xf32, #tpu.memory_space<vmem_shared>>
      %dma_start3A_115 = arith.constant 0 : i32
      %dma_start3A_116 = arith.constant 0 : i32
      %dma_start3A_117 = tpu.memref_slice %arg5[%dma_start3A_115, %dma_start3A_116] : memref<624x128xf32, #tpu.memory_space<hbm>> -> memref<16x128xf32, #tpu.memory_space<hbm>>
      tpu.enqueue_dma source(%dma_start3A_117 : memref<16x128xf32, #tpu.memory_space<hbm>>) target(%dma_start3A_114 : memref<16x128xf32, #tpu.memory_space<vmem_shared>>) target_semaphore(%arg20 : memref<!tpu.dma_semaphore, #tpu.memory_space<semaphore_mem>>)
    } else {
    }
    "tpu.region"() ({
      %run_scoped3A = tpu.sem_alloc : memref<!tpu.dma_semaphore, #tpu.memory_space<semaphore_mem>>
      %dma_start3A_112 = arith.constant 0 : i32
      %dma_start3A_113 = arith.constant 0 : i32
      %dma_start3A_114 = tpu.memref_slice %arg4[%add3A, %dma_start3A_112, %dma_start3A_113] : memref<32x125x80xi32, #tpu.memory_space<hbm>> -> memref<1x125x80xi32, #tpu.memory_space<hbm>>
      %dma_start3A_115 = tpu.memref_squeeze %dma_start3A_114 : memref<1x125x80xi32, #tpu.memory_space<hbm>> -> memref<125x80xi32, #tpu.memory_space<hbm>>
      %dma_start3A_116 = arith.constant 0 : i32
      %dma_start3A_117 = arith.constant 0 : i32
      %dma_start3A_118 = tpu.memref_slice %arg4[%add3A, %dma_start3A_116, %dma_start3A_117] : memref<32x125x80xi32, #tpu.memory_space<hbm>> -> memref<1x125x80xi32, #tpu.memory_space<hbm>>
      %dma_start3A_119 = tpu.memref_squeeze %dma_start3A_118 : memref<1x125x80xi32, #tpu.memory_space<hbm>> -> memref<125x80xi32, #tpu.memory_space<hbm>>
      tpu.enqueue_dma source(%dma_start3A_119 : memref<125x80xi32, #tpu.memory_space<hbm>>) target(%arg8 : memref<125x80xi32, #tpu.memory_space<vmem>>) target_semaphore(%run_scoped3A : memref<!tpu.dma_semaphore, #tpu.memory_space<semaphore_mem>>)
      %dma_wait3A_120 = arith.constant 0 : i32
      %dma_wait3A_121 = arith.constant 0 : i32
      %dma_wait3A_122 = tpu.memref_slice %arg4[%add3A, %dma_wait3A_120, %dma_wait3A_121] : memref<32x125x80xi32, #tpu.memory_space<hbm>> -> memref<1x125x80xi32, #tpu.memory_space<hbm>>
      %dma_wait3A_123 = tpu.memref_squeeze %dma_wait3A_122 : memref<1x125x80xi32, #tpu.memory_space<hbm>> -> memref<125x80xi32, #tpu.memory_space<hbm>>
      %dma_wait3A_124 = arith.constant 0 : i32
      %dma_wait3A_125 = arith.constant 0 : i32
      %dma_wait3A_126 = tpu.memref_slice %arg4[%add3A, %dma_wait3A_124, %dma_wait3A_125] : memref<32x125x80xi32, #tpu.memory_space<hbm>> -> memref<1x125x80xi32, #tpu.memory_space<hbm>>
      %dma_wait3A_127 = tpu.memref_squeeze %dma_wait3A_126 : memref<1x125x80xi32, #tpu.memory_space<hbm>> -> memref<125x80xi32, #tpu.memory_space<hbm>>
      tpu.wait_dma2 semaphore(%run_scoped3A : memref<!tpu.dma_semaphore, #tpu.memory_space<semaphore_mem>>) src(%dma_wait3A_127 : memref<125x80xi32, #tpu.memory_space<hbm>>) dst(%arg8 : memref<125x80xi32, #tpu.memory_space<vmem>>)
      tpu.yield
    }) : () -> ()
    %add3A_11 = arith.constant 0 : i32
    %add3A_12 = arith.addi %multiple_of3A, %add3A_11 : i32
    %multiple_of3A_13 = tpu.assume_multiple %add3A_12, 8 : i32
    %dma_start3A_14 = arith.constant 0 : i32
    %dma_start3A_15 = arith.constant 0 : i32
    %dma_start3A_16 = tpu.memref_slice %arg7[%dma_start3A_14, %dma_start3A_15] : memref<3x80xi32, #tpu.memory_space<vmem>> -> memref<1x80xi32, #tpu.memory_space<vmem>>
    %dma_start3A_17 = tpu.memref_squeeze %dma_start3A_16 : memref<1x80xi32, #tpu.memory_space<vmem>> -> memref<80xi32, #tpu.memory_space<vmem>>
    %dma_start3A_18 = tpu.memref_slice %arg3[%multiple_of3A_13] : memref<320000xi32, #tpu.memory_space<hbm>> -> memref<80xi32, #tpu.memory_space<hbm>>
    %dma_start3A_19 = arith.constant 0 : i32
    %dma_start3A_20 = tpu.memref_slice %arg7[%dma_start3A_14, %dma_start3A_19] : memref<3x80xi32, #tpu.memory_space<vmem>> -> memref<1x80xi32, #tpu.memory_space<vmem>>
    %dma_start3A_21 = tpu.memref_squeeze %dma_start3A_20 : memref<1x80xi32, #tpu.memory_space<vmem>> -> memref<80xi32, #tpu.memory_space<vmem>>
    %dma_start3A_22 = tpu.memref_slice %arg3[%multiple_of3A_13] : memref<320000xi32, #tpu.memory_space<hbm>> -> memref<80xi32, #tpu.memory_space<hbm>>
    tpu.enqueue_dma source(%dma_start3A_22 : memref<80xi32, #tpu.memory_space<hbm>>) target(%dma_start3A_21 : memref<80xi32, #tpu.memory_space<vmem>>) target_semaphore(%arg11 : memref<!tpu.dma_semaphore, #tpu.memory_space<semaphore_mem>>)
    %add3A_23 = arith.constant 80 : i32
    %add3A_24 = arith.addi %multiple_of3A, %add3A_23 : i32
    %multiple_of3A_25 = tpu.assume_multiple %add3A_24, 8 : i32
    %dma_start3A_26 = arith.constant 1 : i32
    %dma_start3A_27 = arith.constant 0 : i32
    %dma_start3A_28 = tpu.memref_slice %arg7[%dma_start3A_26, %dma_start3A_27] : memref<3x80xi32, #tpu.memory_space<vmem>> -> memref<1x80xi32, #tpu.memory_space<vmem>>
    %dma_start3A_29 = tpu.memref_squeeze %dma_start3A_28 : memref<1x80xi32, #tpu.memory_space<vmem>> -> memref<80xi32, #tpu.memory_space<vmem>>
    %dma_start3A_30 = tpu.memref_slice %arg3[%multiple_of3A_25] : memref<320000xi32, #tpu.memory_space<hbm>> -> memref<80xi32, #tpu.memory_space<hbm>>
    %dma_start3A_31 = arith.constant 0 : i32
    %dma_start3A_32 = tpu.memref_slice %arg7[%dma_start3A_26, %dma_start3A_31] : memref<3x80xi32, #tpu.memory_space<vmem>> -> memref<1x80xi32, #tpu.memory_space<vmem>>
    %dma_start3A_33 = tpu.memref_squeeze %dma_start3A_32 : memref<1x80xi32, #tpu.memory_space<vmem>> -> memref<80xi32, #tpu.memory_space<vmem>>
    %dma_start3A_34 = tpu.memref_slice %arg3[%multiple_of3A_25] : memref<320000xi32, #tpu.memory_space<hbm>> -> memref<80xi32, #tpu.memory_space<hbm>>
    tpu.enqueue_dma source(%dma_start3A_34 : memref<80xi32, #tpu.memory_space<hbm>>) target(%dma_start3A_33 : memref<80xi32, #tpu.memory_space<vmem>>) target_semaphore(%arg12 : memref<!tpu.dma_semaphore, #tpu.memory_space<semaphore_mem>>)
    %dma_wait3A = arith.constant 0 : i32
    %dma_wait3A_35 = arith.constant 0 : i32
    %dma_wait3A_36 = tpu.memref_slice %arg7[%dma_wait3A, %dma_wait3A_35] : memref<3x80xi32, #tpu.memory_space<vmem>> -> memref<1x80xi32, #tpu.memory_space<vmem>>
    %dma_wait3A_37 = tpu.memref_squeeze %dma_wait3A_36 : memref<1x80xi32, #tpu.memory_space<vmem>> -> memref<80xi32, #tpu.memory_space<vmem>>
    %dma_wait3A_38 = arith.constant 0 : i32
    %dma_wait3A_39 = tpu.memref_slice %arg3[%dma_wait3A_38] : memref<320000xi32, #tpu.memory_space<hbm>> -> memref<80xi32, #tpu.memory_space<hbm>>
    %dma_wait3A_40 = arith.constant 0 : i32
    %dma_wait3A_41 = tpu.memref_slice %arg7[%dma_wait3A, %dma_wait3A_40] : memref<3x80xi32, #tpu.memory_space<vmem>> -> memref<1x80xi32, #tpu.memory_space<vmem>>
    %dma_wait3A_42 = tpu.memref_squeeze %dma_wait3A_41 : memref<1x80xi32, #tpu.memory_space<vmem>> -> memref<80xi32, #tpu.memory_space<vmem>>
    %dma_wait3A_43 = arith.constant 0 : i32
    %dma_wait3A_44 = tpu.memref_slice %arg3[%dma_wait3A_43] : memref<320000xi32, #tpu.memory_space<hbm>> -> memref<80xi32, #tpu.memory_space<hbm>>
    tpu.wait_dma2 semaphore(%arg11 : memref<!tpu.dma_semaphore, #tpu.memory_space<semaphore_mem>>) src(%dma_wait3A_44 : memref<80xi32, #tpu.memory_space<hbm>>) dst(%dma_wait3A_42 : memref<80xi32, #tpu.memory_space<vmem>>)
    %dma_start3A_45 = arith.constant 0 : i32
    %dma_start3A_46 = arith.constant 0 : i32
    %dma_start3A_47 = arith.constant 0 : i32
    %dma_start3A_48 = arith.constant 0 : i32
    %dma_start3A_49 = tpu.memref_slice %arg9[%dma_start3A_46, %dma_start3A_47, %dma_start3A_48] : memref<3x80x128xf32, #tpu.memory_space<vmem>> -> memref<1x80x128xf32, #tpu.memory_space<vmem>>
    %dma_start3A_50 = tpu.memref_squeeze %dma_start3A_49 : memref<1x80x128xf32, #tpu.memory_space<vmem>> -> memref<80x128xf32, #tpu.memory_space<vmem>>
    %dma_start3A_51 = arith.constant 0 : i32
    %dma_start3A_52 = tpu.memref_slice %arg7[%dma_start3A_45, %dma_start3A_51] : memref<3x80xi32, #tpu.memory_space<vmem>> -> memref<1x80xi32, #tpu.memory_space<vmem>>
    %dma_start3A_53 = tpu.memref_squeeze %dma_start3A_52 : memref<1x80xi32, #tpu.memory_space<vmem>> -> memref<80xi32, #tpu.memory_space<vmem>>
    %dma_start3A_54 = arith.constant 0 : i32
    %dma_start3A_55 = arith.constant 0 : i32
    %dma_start3A_56 = tpu.memref_slice %arg2[%dma_start3A_54, %dma_start3A_55] : memref<10000x128xf32, #tpu.memory_space<hbm>> -> memref<10000x128xf32, #tpu.memory_space<hbm>>
    tpu.enqueue_indirect_dma source(%dma_start3A_56 : memref<10000x128xf32, #tpu.memory_space<hbm>>) target(%dma_start3A_50 : memref<80x128xf32, #tpu.memory_space<vmem>>) offsets(%dma_start3A_53 : memref<80xi32, #tpu.memory_space<vmem>>) semaphore(%arg14 : memref<!tpu.dma_semaphore, #tpu.memory_space<semaphore_mem>>)
    %mul3A_57 = arith.constant 624 : i32
    %mul3A_58 = arith.muli %arg1, %mul3A_57 : i32
    %dma_wait3A_59 = arith.constant 0 : i32
    %dma_wait3A_60 = tpu.memref_slice %arg10[%mul3A_58, %dma_wait3A_59] : memref<10000x128xf32, #tpu.memory_space<vmem_shared>> -> memref<624x128xf32, #tpu.memory_space<vmem_shared>>
    %dma_wait3A_61 = arith.constant 0 : i32
    %dma_wait3A_62 = arith.constant 0 : i32
    %dma_wait3A_63 = tpu.memref_slice %arg5[%dma_wait3A_61, %dma_wait3A_62] : memref<624x128xf32, #tpu.memory_space<hbm>> -> memref<624x128xf32, #tpu.memory_space<hbm>>
    tpu.wait_dma2 semaphore(%arg20 : memref<!tpu.dma_semaphore, #tpu.memory_space<semaphore_mem>>) src(%dma_wait3A_63 : memref<624x128xf32, #tpu.memory_space<hbm>>) dst(%dma_wait3A_60 : memref<624x128xf32, #tpu.memory_space<vmem_shared>>)
    %eq3A_64 = arith.constant 0 : i32
    %eq3A_65 = arith.cmpi eq, %arg1, %eq3A_64 : i32
    %convert_element_type3A_66 = arith.extui %eq3A_65 : i1 to i32
    %cond3A_67 = arith.constant 0 : i32
    %cond3A_68 = arith.cmpi ne, %convert_element_type3A_66, %cond3A_67 : i32
    scf.if %cond3A_68 {
      %dma_wait3A_112 = arith.constant 9984 : i32
      %dma_wait3A_113 = arith.constant 0 : i32
      %dma_wait3A_114 = tpu.memref_slice %arg10[%dma_wait3A_112, %dma_wait3A_113] : memref<10000x128xf32, #tpu.memory_space<vmem_shared>> -> memref<16x128xf32, #tpu.memory_space<vmem_shared>>
      %dma_wait3A_115 = arith.constant 0 : i32
      %dma_wait3A_116 = arith.constant 0 : i32
      %dma_wait3A_117 = tpu.memref_slice %arg5[%dma_wait3A_115, %dma_wait3A_116] : memref<624x128xf32, #tpu.memory_space<hbm>> -> memref<16x128xf32, #tpu.memory_space<hbm>>
      tpu.wait_dma2 semaphore(%arg20 : memref<!tpu.dma_semaphore, #tpu.memory_space<semaphore_mem>>) src(%dma_wait3A_117 : memref<16x128xf32, #tpu.memory_space<hbm>>) dst(%dma_wait3A_114 : memref<16x128xf32, #tpu.memory_space<vmem_shared>>)
    } else {
    }
    %barrier3A = arith.constant 0 : index
    tpu.barrier barrier_id(%barrier3A)
    %scan3A = arith.constant 0 : i32
    %scan3A_69 = arith.constant 0 : i32
    %scan3A_70 = arith.constant 125 : i32
    %scan3A_71 = arith.addi %scan3A_69, %scan3A_70 : i32
    %scan3A_72 = arith.constant 1 : i32
    scf.for %scan3A_112 = %scan3A_69 to %scan3A_71 step %scan3A_72  : i32 {
      %add3A_113 = arith.constant 2 : i32
      %add3A_114 = arith.addi %scan3A_112, %add3A_113 : i32
      %lt3A = arith.constant 125 : i32
      %lt3A_115 = arith.cmpi slt, %add3A_114, %lt3A : i32
      %convert_element_type3A_116 = arith.extui %lt3A_115 : i1 to i32
      %cond3A_117 = arith.constant 0 : i32
      %cond3A_118 = arith.cmpi ne, %convert_element_type3A_116, %cond3A_117 : i32
      scf.if %cond3A_118 {
        %add3A_146 = arith.constant 2 : i32
        %add3A_147 = arith.addi %scan3A_112, %add3A_146 : i32
        %rem3A_148 = arith.constant 3 : i32
        %rem3A_149 = arith.remsi %add3A_147, %rem3A_148 : i32
        %eq3A_150 = arith.constant 0 : i32
        %eq3A_151 = arith.cmpi eq, %rem3A_149, %eq3A_150 : i32
        %convert_element_type3A_152 = arith.extui %eq3A_151 : i1 to i32
        %cond3A_153 = arith.constant 0 : i32
        %cond3A_154 = arith.cmpi ne, %convert_element_type3A_152, %cond3A_153 : i32
        scf.if %cond3A_154 {
          %add3A_173 = arith.constant 2 : i32
          %add3A_174 = arith.addi %scan3A_112, %add3A_173 : i32
          %mul3A_175 = arith.constant 80 : i32
          %mul3A_176 = arith.muli %add3A_174, %mul3A_175 : i32
          %add3A_177 = arith.addi %multiple_of3A, %mul3A_176 : i32
          %multiple_of3A_178 = tpu.assume_multiple %add3A_177, 8 : i32
          %dma_start3A_179 = arith.constant 0 : i32
          %dma_start3A_180 = arith.constant 0 : i32
          %dma_start3A_181 = tpu.memref_slice %arg7[%dma_start3A_179, %dma_start3A_180] : memref<3x80xi32, #tpu.memory_space<vmem>> -> memref<1x80xi32, #tpu.memory_space<vmem>>
          %dma_start3A_182 = tpu.memref_squeeze %dma_start3A_181 : memref<1x80xi32, #tpu.memory_space<vmem>> -> memref<80xi32, #tpu.memory_space<vmem>>
          %dma_start3A_183 = tpu.memref_slice %arg3[%multiple_of3A_178] : memref<320000xi32, #tpu.memory_space<hbm>> -> memref<80xi32, #tpu.memory_space<hbm>>
          %dma_start3A_184 = arith.constant 0 : i32
          %dma_start3A_185 = tpu.memref_slice %arg7[%dma_start3A_179, %dma_start3A_184] : memref<3x80xi32, #tpu.memory_space<vmem>> -> memref<1x80xi32, #tpu.memory_space<vmem>>
          %dma_start3A_186 = tpu.memref_squeeze %dma_start3A_185 : memref<1x80xi32, #tpu.memory_space<vmem>> -> memref<80xi32, #tpu.memory_space<vmem>>
          %dma_start3A_187 = tpu.memref_slice %arg3[%multiple_of3A_178] : memref<320000xi32, #tpu.memory_space<hbm>> -> memref<80xi32, #tpu.memory_space<hbm>>
          tpu.enqueue_dma source(%dma_start3A_187 : memref<80xi32, #tpu.memory_space<hbm>>) target(%dma_start3A_186 : memref<80xi32, #tpu.memory_space<vmem>>) target_semaphore(%arg11 : memref<!tpu.dma_semaphore, #tpu.memory_space<semaphore_mem>>)
        } else {
        }
        %add3A_155 = arith.constant 2 : i32
        %add3A_156 = arith.addi %scan3A_112, %add3A_155 : i32
        %rem3A_157 = arith.constant 3 : i32
        %rem3A_158 = arith.remsi %add3A_156, %rem3A_157 : i32
        %eq3A_159 = arith.constant 1 : i32
        %eq3A_160 = arith.cmpi eq, %rem3A_158, %eq3A_159 : i32
        %convert_element_type3A_161 = arith.extui %eq3A_160 : i1 to i32
        %cond3A_162 = arith.constant 0 : i32
        %cond3A_163 = arith.cmpi ne, %convert_element_type3A_161, %cond3A_162 : i32
        scf.if %cond3A_163 {
          %add3A_173 = arith.constant 2 : i32
          %add3A_174 = arith.addi %scan3A_112, %add3A_173 : i32
          %mul3A_175 = arith.constant 80 : i32
          %mul3A_176 = arith.muli %add3A_174, %mul3A_175 : i32
          %add3A_177 = arith.addi %multiple_of3A, %mul3A_176 : i32
          %multiple_of3A_178 = tpu.assume_multiple %add3A_177, 8 : i32
          %dma_start3A_179 = arith.constant 1 : i32
          %dma_start3A_180 = arith.constant 0 : i32
          %dma_start3A_181 = tpu.memref_slice %arg7[%dma_start3A_179, %dma_start3A_180] : memref<3x80xi32, #tpu.memory_space<vmem>> -> memref<1x80xi32, #tpu.memory_space<vmem>>
          %dma_start3A_182 = tpu.memref_squeeze %dma_start3A_181 : memref<1x80xi32, #tpu.memory_space<vmem>> -> memref<80xi32, #tpu.memory_space<vmem>>
          %dma_start3A_183 = tpu.memref_slice %arg3[%multiple_of3A_178] : memref<320000xi32, #tpu.memory_space<hbm>> -> memref<80xi32, #tpu.memory_space<hbm>>
          %dma_start3A_184 = arith.constant 0 : i32
          %dma_start3A_185 = tpu.memref_slice %arg7[%dma_start3A_179, %dma_start3A_184] : memref<3x80xi32, #tpu.memory_space<vmem>> -> memref<1x80xi32, #tpu.memory_space<vmem>>
          %dma_start3A_186 = tpu.memref_squeeze %dma_start3A_185 : memref<1x80xi32, #tpu.memory_space<vmem>> -> memref<80xi32, #tpu.memory_space<vmem>>
          %dma_start3A_187 = tpu.memref_slice %arg3[%multiple_of3A_178] : memref<320000xi32, #tpu.memory_space<hbm>> -> memref<80xi32, #tpu.memory_space<hbm>>
          tpu.enqueue_dma source(%dma_start3A_187 : memref<80xi32, #tpu.memory_space<hbm>>) target(%dma_start3A_186 : memref<80xi32, #tpu.memory_space<vmem>>) target_semaphore(%arg12 : memref<!tpu.dma_semaphore, #tpu.memory_space<semaphore_mem>>)
        } else {
        }
        %add3A_164 = arith.constant 2 : i32
        %add3A_165 = arith.addi %scan3A_112, %add3A_164 : i32
        %rem3A_166 = arith.constant 3 : i32
        %rem3A_167 = arith.remsi %add3A_165, %rem3A_166 : i32
        %eq3A_168 = arith.constant 2 : i32
        %eq3A_169 = arith.cmpi eq, %rem3A_167, %eq3A_168 : i32
        %convert_element_type3A_170 = arith.extui %eq3A_169 : i1 to i32
        %cond3A_171 = arith.constant 0 : i32
        %cond3A_172 = arith.cmpi ne, %convert_element_type3A_170, %cond3A_171 : i32
        scf.if %cond3A_172 {
          %add3A_173 = arith.constant 2 : i32
          %add3A_174 = arith.addi %scan3A_112, %add3A_173 : i32
          %mul3A_175 = arith.constant 80 : i32
          %mul3A_176 = arith.muli %add3A_174, %mul3A_175 : i32
          %add3A_177 = arith.addi %multiple_of3A, %mul3A_176 : i32
          %multiple_of3A_178 = tpu.assume_multiple %add3A_177, 8 : i32
          %dma_start3A_179 = arith.constant 2 : i32
          %dma_start3A_180 = arith.constant 0 : i32
          %dma_start3A_181 = tpu.memref_slice %arg7[%dma_start3A_179, %dma_start3A_180] : memref<3x80xi32, #tpu.memory_space<vmem>> -> memref<1x80xi32, #tpu.memory_space<vmem>>
          %dma_start3A_182 = tpu.memref_squeeze %dma_start3A_181 : memref<1x80xi32, #tpu.memory_space<vmem>> -> memref<80xi32, #tpu.memory_space<vmem>>
          %dma_start3A_183 = tpu.memref_slice %arg3[%multiple_of3A_178] : memref<320000xi32, #tpu.memory_space<hbm>> -> memref<80xi32, #tpu.memory_space<hbm>>
          %dma_start3A_184 = arith.constant 0 : i32
          %dma_start3A_185 = tpu.memref_slice %arg7[%dma_start3A_179, %dma_start3A_184] : memref<3x80xi32, #tpu.memory_space<vmem>> -> memref<1x80xi32, #tpu.memory_space<vmem>>
          %dma_start3A_186 = tpu.memref_squeeze %dma_start3A_185 : memref<1x80xi32, #tpu.memory_space<vmem>> -> memref<80xi32, #tpu.memory_space<vmem>>
          %dma_start3A_187 = tpu.memref_slice %arg3[%multiple_of3A_178] : memref<320000xi32, #tpu.memory_space<hbm>> -> memref<80xi32, #tpu.memory_space<hbm>>
          tpu.enqueue_dma source(%dma_start3A_187 : memref<80xi32, #tpu.memory_space<hbm>>) target(%dma_start3A_186 : memref<80xi32, #tpu.memory_space<vmem>>) target_semaphore(%arg13 : memref<!tpu.dma_semaphore, #tpu.memory_space<semaphore_mem>>)
        } else {
        }
      } else {
      }
      %add3A_119 = arith.constant 1 : i32
      %add3A_120 = arith.addi %scan3A_112, %add3A_119 : i32
      %lt3A_121 = arith.constant 125 : i32
      %lt3A_122 = arith.cmpi slt, %add3A_120, %lt3A_121 : i32
      %convert_element_type3A_123 = arith.extui %lt3A_122 : i1 to i32
      %cond3A_124 = arith.constant 0 : i32
      %cond3A_125 = arith.cmpi ne, %convert_element_type3A_123, %cond3A_124 : i32
      scf.if %cond3A_125 {
        %add3A_146 = arith.constant 1 : i32
        %add3A_147 = arith.addi %scan3A_112, %add3A_146 : i32
        %rem3A_148 = arith.constant 3 : i32
        %rem3A_149 = arith.remsi %add3A_147, %rem3A_148 : i32
        %eq3A_150 = arith.constant 0 : i32
        %eq3A_151 = arith.cmpi eq, %rem3A_149, %eq3A_150 : i32
        %convert_element_type3A_152 = arith.extui %eq3A_151 : i1 to i32
        %cond3A_153 = arith.constant 0 : i32
        %cond3A_154 = arith.cmpi ne, %convert_element_type3A_152, %cond3A_153 : i32
        scf.if %cond3A_154 {
          %ge3A = arith.constant 2 : i32
          %ge3A_173 = arith.cmpi sge, %scan3A_112, %ge3A : i32
          %convert_element_type3A_174 = arith.extui %ge3A_173 : i1 to i32
          %cond3A_175 = arith.constant 0 : i32
          %cond3A_176 = arith.cmpi ne, %convert_element_type3A_174, %cond3A_175 : i32
          scf.if %cond3A_176 {
            %dma_wait3A_200 = arith.constant 0 : i32
            %dma_wait3A_201 = arith.constant 0 : i32
            %dma_wait3A_202 = arith.constant 0 : i32
            %dma_wait3A_203 = arith.constant 0 : i32
            %dma_wait3A_204 = tpu.memref_slice %arg9[%dma_wait3A_200, %dma_wait3A_202, %dma_wait3A_203] : memref<3x80x128xf32, #tpu.memory_space<vmem>> -> memref<1x80x128xf32, #tpu.memory_space<vmem>>
            %dma_wait3A_205 = tpu.memref_squeeze %dma_wait3A_204 : memref<1x80x128xf32, #tpu.memory_space<vmem>> -> memref<80x128xf32, #tpu.memory_space<vmem>>
            %dma_wait3A_206 = arith.constant 0 : i32
            %dma_wait3A_207 = tpu.memref_slice %arg8[%dma_wait3A_201, %dma_wait3A_206] : memref<125x80xi32, #tpu.memory_space<vmem>> -> memref<1x80xi32, #tpu.memory_space<vmem>>
            %dma_wait3A_208 = tpu.memref_squeeze %dma_wait3A_207 : memref<1x80xi32, #tpu.memory_space<vmem>> -> memref<80xi32, #tpu.memory_space<vmem>>
            %dma_wait3A_209 = arith.constant 0 : i32
            %dma_wait3A_210 = arith.constant 0 : i32
            %dma_wait3A_211 = tpu.memref_slice %arg10[%dma_wait3A_209, %dma_wait3A_210] : memref<10000x128xf32, #tpu.memory_space<vmem_shared>> -> memref<10000x128xf32, #tpu.memory_space<vmem_shared>>
            tpu.wait_indirect_dma semaphore(%arg17 : memref<!tpu.dma_semaphore, #tpu.memory_space<semaphore_mem>>) src(%dma_wait3A_205 : memref<80x128xf32, #tpu.memory_space<vmem>>) dst(%dma_wait3A_211 : memref<10000x128xf32, #tpu.memory_space<vmem_shared>>)
          } else {
          }
          %dma_wait3A_177 = arith.constant 0 : i32
          %dma_wait3A_178 = arith.constant 0 : i32
          %dma_wait3A_179 = tpu.memref_slice %arg7[%dma_wait3A_177, %dma_wait3A_178] : memref<3x80xi32, #tpu.memory_space<vmem>> -> memref<1x80xi32, #tpu.memory_space<vmem>>
          %dma_wait3A_180 = tpu.memref_squeeze %dma_wait3A_179 : memref<1x80xi32, #tpu.memory_space<vmem>> -> memref<80xi32, #tpu.memory_space<vmem>>
          %dma_wait3A_181 = arith.constant 0 : i32
          %dma_wait3A_182 = tpu.memref_slice %arg3[%dma_wait3A_181] : memref<320000xi32, #tpu.memory_space<hbm>> -> memref<80xi32, #tpu.memory_space<hbm>>
          %dma_wait3A_183 = arith.constant 0 : i32
          %dma_wait3A_184 = tpu.memref_slice %arg7[%dma_wait3A_177, %dma_wait3A_183] : memref<3x80xi32, #tpu.memory_space<vmem>> -> memref<1x80xi32, #tpu.memory_space<vmem>>
          %dma_wait3A_185 = tpu.memref_squeeze %dma_wait3A_184 : memref<1x80xi32, #tpu.memory_space<vmem>> -> memref<80xi32, #tpu.memory_space<vmem>>
          %dma_wait3A_186 = arith.constant 0 : i32
          %dma_wait3A_187 = tpu.memref_slice %arg3[%dma_wait3A_186] : memref<320000xi32, #tpu.memory_space<hbm>> -> memref<80xi32, #tpu.memory_space<hbm>>
          tpu.wait_dma2 semaphore(%arg11 : memref<!tpu.dma_semaphore, #tpu.memory_space<semaphore_mem>>) src(%dma_wait3A_187 : memref<80xi32, #tpu.memory_space<hbm>>) dst(%dma_wait3A_185 : memref<80xi32, #tpu.memory_space<vmem>>)
          %dma_start3A_188 = arith.constant 0 : i32
          %dma_start3A_189 = arith.constant 0 : i32
          %dma_start3A_190 = arith.constant 0 : i32
          %dma_start3A_191 = arith.constant 0 : i32
          %dma_start3A_192 = tpu.memref_slice %arg9[%dma_start3A_189, %dma_start3A_190, %dma_start3A_191] : memref<3x80x128xf32, #tpu.memory_space<vmem>> -> memref<1x80x128xf32, #tpu.memory_space<vmem>>
          %dma_start3A_193 = tpu.memref_squeeze %dma_start3A_192 : memref<1x80x128xf32, #tpu.memory_space<vmem>> -> memref<80x128xf32, #tpu.memory_space<vmem>>
          %dma_start3A_194 = arith.constant 0 : i32
          %dma_start3A_195 = tpu.memref_slice %arg7[%dma_start3A_188, %dma_start3A_194] : memref<3x80xi32, #tpu.memory_space<vmem>> -> memref<1x80xi32, #tpu.memory_space<vmem>>
          %dma_start3A_196 = tpu.memref_squeeze %dma_start3A_195 : memref<1x80xi32, #tpu.memory_space<vmem>> -> memref<80xi32, #tpu.memory_space<vmem>>
          %dma_start3A_197 = arith.constant 0 : i32
          %dma_start3A_198 = arith.constant 0 : i32
          %dma_start3A_199 = tpu.memref_slice %arg2[%dma_start3A_197, %dma_start3A_198] : memref<10000x128xf32, #tpu.memory_space<hbm>> -> memref<10000x128xf32, #tpu.memory_space<hbm>>
          tpu.enqueue_indirect_dma source(%dma_start3A_199 : memref<10000x128xf32, #tpu.memory_space<hbm>>) target(%dma_start3A_193 : memref<80x128xf32, #tpu.memory_space<vmem>>) offsets(%dma_start3A_196 : memref<80xi32, #tpu.memory_space<vmem>>) semaphore(%arg14 : memref<!tpu.dma_semaphore, #tpu.memory_space<semaphore_mem>>)
        } else {
        }
        %add3A_155 = arith.constant 1 : i32
        %add3A_156 = arith.addi %scan3A_112, %add3A_155 : i32
        %rem3A_157 = arith.constant 3 : i32
        %rem3A_158 = arith.remsi %add3A_156, %rem3A_157 : i32
        %eq3A_159 = arith.constant 1 : i32
        %eq3A_160 = arith.cmpi eq, %rem3A_158, %eq3A_159 : i32
        %convert_element_type3A_161 = arith.extui %eq3A_160 : i1 to i32
        %cond3A_162 = arith.constant 0 : i32
        %cond3A_163 = arith.cmpi ne, %convert_element_type3A_161, %cond3A_162 : i32
        scf.if %cond3A_163 {
          %ge3A = arith.constant 2 : i32
          %ge3A_173 = arith.cmpi sge, %scan3A_112, %ge3A : i32
          %convert_element_type3A_174 = arith.extui %ge3A_173 : i1 to i32
          %cond3A_175 = arith.constant 0 : i32
          %cond3A_176 = arith.cmpi ne, %convert_element_type3A_174, %cond3A_175 : i32
          scf.if %cond3A_176 {
            %dma_wait3A_200 = arith.constant 1 : i32
            %dma_wait3A_201 = arith.constant 0 : i32
            %dma_wait3A_202 = arith.constant 0 : i32
            %dma_wait3A_203 = arith.constant 0 : i32
            %dma_wait3A_204 = tpu.memref_slice %arg9[%dma_wait3A_200, %dma_wait3A_202, %dma_wait3A_203] : memref<3x80x128xf32, #tpu.memory_space<vmem>> -> memref<1x80x128xf32, #tpu.memory_space<vmem>>
            %dma_wait3A_205 = tpu.memref_squeeze %dma_wait3A_204 : memref<1x80x128xf32, #tpu.memory_space<vmem>> -> memref<80x128xf32, #tpu.memory_space<vmem>>
            %dma_wait3A_206 = arith.constant 0 : i32
            %dma_wait3A_207 = tpu.memref_slice %arg8[%dma_wait3A_201, %dma_wait3A_206] : memref<125x80xi32, #tpu.memory_space<vmem>> -> memref<1x80xi32, #tpu.memory_space<vmem>>
            %dma_wait3A_208 = tpu.memref_squeeze %dma_wait3A_207 : memref<1x80xi32, #tpu.memory_space<vmem>> -> memref<80xi32, #tpu.memory_space<vmem>>
            %dma_wait3A_209 = arith.constant 0 : i32
            %dma_wait3A_210 = arith.constant 0 : i32
            %dma_wait3A_211 = tpu.memref_slice %arg10[%dma_wait3A_209, %dma_wait3A_210] : memref<10000x128xf32, #tpu.memory_space<vmem_shared>> -> memref<10000x128xf32, #tpu.memory_space<vmem_shared>>
            tpu.wait_indirect_dma semaphore(%arg18 : memref<!tpu.dma_semaphore, #tpu.memory_space<semaphore_mem>>) src(%dma_wait3A_205 : memref<80x128xf32, #tpu.memory_space<vmem>>) dst(%dma_wait3A_211 : memref<10000x128xf32, #tpu.memory_space<vmem_shared>>)
          } else {
          }
          %dma_wait3A_177 = arith.constant 1 : i32
          %dma_wait3A_178 = arith.constant 0 : i32
          %dma_wait3A_179 = tpu.memref_slice %arg7[%dma_wait3A_177, %dma_wait3A_178] : memref<3x80xi32, #tpu.memory_space<vmem>> -> memref<1x80xi32, #tpu.memory_space<vmem>>
          %dma_wait3A_180 = tpu.memref_squeeze %dma_wait3A_179 : memref<1x80xi32, #tpu.memory_space<vmem>> -> memref<80xi32, #tpu.memory_space<vmem>>
          %dma_wait3A_181 = arith.constant 0 : i32
          %dma_wait3A_182 = tpu.memref_slice %arg3[%dma_wait3A_181] : memref<320000xi32, #tpu.memory_space<hbm>> -> memref<80xi32, #tpu.memory_space<hbm>>
          %dma_wait3A_183 = arith.constant 0 : i32
          %dma_wait3A_184 = tpu.memref_slice %arg7[%dma_wait3A_177, %dma_wait3A_183] : memref<3x80xi32, #tpu.memory_space<vmem>> -> memref<1x80xi32, #tpu.memory_space<vmem>>
          %dma_wait3A_185 = tpu.memref_squeeze %dma_wait3A_184 : memref<1x80xi32, #tpu.memory_space<vmem>> -> memref<80xi32, #tpu.memory_space<vmem>>
          %dma_wait3A_186 = arith.constant 0 : i32
          %dma_wait3A_187 = tpu.memref_slice %arg3[%dma_wait3A_186] : memref<320000xi32, #tpu.memory_space<hbm>> -> memref<80xi32, #tpu.memory_space<hbm>>
          tpu.wait_dma2 semaphore(%arg12 : memref<!tpu.dma_semaphore, #tpu.memory_space<semaphore_mem>>) src(%dma_wait3A_187 : memref<80xi32, #tpu.memory_space<hbm>>) dst(%dma_wait3A_185 : memref<80xi32, #tpu.memory_space<vmem>>)
          %dma_start3A_188 = arith.constant 1 : i32
          %dma_start3A_189 = arith.constant 1 : i32
          %dma_start3A_190 = arith.constant 0 : i32
          %dma_start3A_191 = arith.constant 0 : i32
          %dma_start3A_192 = tpu.memref_slice %arg9[%dma_start3A_189, %dma_start3A_190, %dma_start3A_191] : memref<3x80x128xf32, #tpu.memory_space<vmem>> -> memref<1x80x128xf32, #tpu.memory_space<vmem>>
          %dma_start3A_193 = tpu.memref_squeeze %dma_start3A_192 : memref<1x80x128xf32, #tpu.memory_space<vmem>> -> memref<80x128xf32, #tpu.memory_space<vmem>>
          %dma_start3A_194 = arith.constant 0 : i32
          %dma_start3A_195 = tpu.memref_slice %arg7[%dma_start3A_188, %dma_start3A_194] : memref<3x80xi32, #tpu.memory_space<vmem>> -> memref<1x80xi32, #tpu.memory_space<vmem>>
          %dma_start3A_196 = tpu.memref_squeeze %dma_start3A_195 : memref<1x80xi32, #tpu.memory_space<vmem>> -> memref<80xi32, #tpu.memory_space<vmem>>
          %dma_start3A_197 = arith.constant 0 : i32
          %dma_start3A_198 = arith.constant 0 : i32
          %dma_start3A_199 = tpu.memref_slice %arg2[%dma_start3A_197, %dma_start3A_198] : memref<10000x128xf32, #tpu.memory_space<hbm>> -> memref<10000x128xf32, #tpu.memory_space<hbm>>
          tpu.enqueue_indirect_dma source(%dma_start3A_199 : memref<10000x128xf32, #tpu.memory_space<hbm>>) target(%dma_start3A_193 : memref<80x128xf32, #tpu.memory_space<vmem>>) offsets(%dma_start3A_196 : memref<80xi32, #tpu.memory_space<vmem>>) semaphore(%arg15 : memref<!tpu.dma_semaphore, #tpu.memory_space<semaphore_mem>>)
        } else {
        }
        %add3A_164 = arith.constant 1 : i32
        %add3A_165 = arith.addi %scan3A_112, %add3A_164 : i32
        %rem3A_166 = arith.constant 3 : i32
        %rem3A_167 = arith.remsi %add3A_165, %rem3A_166 : i32
        %eq3A_168 = arith.constant 2 : i32
        %eq3A_169 = arith.cmpi eq, %rem3A_167, %eq3A_168 : i32
        %convert_element_type3A_170 = arith.extui %eq3A_169 : i1 to i32
        %cond3A_171 = arith.constant 0 : i32
        %cond3A_172 = arith.cmpi ne, %convert_element_type3A_170, %cond3A_171 : i32
        scf.if %cond3A_172 {
          %ge3A = arith.constant 2 : i32
          %ge3A_173 = arith.cmpi sge, %scan3A_112, %ge3A : i32
          %convert_element_type3A_174 = arith.extui %ge3A_173 : i1 to i32
          %cond3A_175 = arith.constant 0 : i32
          %cond3A_176 = arith.cmpi ne, %convert_element_type3A_174, %cond3A_175 : i32
          scf.if %cond3A_176 {
            %dma_wait3A_200 = arith.constant 2 : i32
            %dma_wait3A_201 = arith.constant 0 : i32
            %dma_wait3A_202 = arith.constant 0 : i32
            %dma_wait3A_203 = arith.constant 0 : i32
            %dma_wait3A_204 = tpu.memref_slice %arg9[%dma_wait3A_200, %dma_wait3A_202, %dma_wait3A_203] : memref<3x80x128xf32, #tpu.memory_space<vmem>> -> memref<1x80x128xf32, #tpu.memory_space<vmem>>
            %dma_wait3A_205 = tpu.memref_squeeze %dma_wait3A_204 : memref<1x80x128xf32, #tpu.memory_space<vmem>> -> memref<80x128xf32, #tpu.memory_space<vmem>>
            %dma_wait3A_206 = arith.constant 0 : i32
            %dma_wait3A_207 = tpu.memref_slice %arg8[%dma_wait3A_201, %dma_wait3A_206] : memref<125x80xi32, #tpu.memory_space<vmem>> -> memref<1x80xi32, #tpu.memory_space<vmem>>
            %dma_wait3A_208 = tpu.memref_squeeze %dma_wait3A_207 : memref<1x80xi32, #tpu.memory_space<vmem>> -> memref<80xi32, #tpu.memory_space<vmem>>
            %dma_wait3A_209 = arith.constant 0 : i32
            %dma_wait3A_210 = arith.constant 0 : i32
            %dma_wait3A_211 = tpu.memref_slice %arg10[%dma_wait3A_209, %dma_wait3A_210] : memref<10000x128xf32, #tpu.memory_space<vmem_shared>> -> memref<10000x128xf32, #tpu.memory_space<vmem_shared>>
            tpu.wait_indirect_dma semaphore(%arg19 : memref<!tpu.dma_semaphore, #tpu.memory_space<semaphore_mem>>) src(%dma_wait3A_205 : memref<80x128xf32, #tpu.memory_space<vmem>>) dst(%dma_wait3A_211 : memref<10000x128xf32, #tpu.memory_space<vmem_shared>>)
          } else {
          }
          %dma_wait3A_177 = arith.constant 2 : i32
          %dma_wait3A_178 = arith.constant 0 : i32
          %dma_wait3A_179 = tpu.memref_slice %arg7[%dma_wait3A_177, %dma_wait3A_178] : memref<3x80xi32, #tpu.memory_space<vmem>> -> memref<1x80xi32, #tpu.memory_space<vmem>>
          %dma_wait3A_180 = tpu.memref_squeeze %dma_wait3A_179 : memref<1x80xi32, #tpu.memory_space<vmem>> -> memref<80xi32, #tpu.memory_space<vmem>>
          %dma_wait3A_181 = arith.constant 0 : i32
          %dma_wait3A_182 = tpu.memref_slice %arg3[%dma_wait3A_181] : memref<320000xi32, #tpu.memory_space<hbm>> -> memref<80xi32, #tpu.memory_space<hbm>>
          %dma_wait3A_183 = arith.constant 0 : i32
          %dma_wait3A_184 = tpu.memref_slice %arg7[%dma_wait3A_177, %dma_wait3A_183] : memref<3x80xi32, #tpu.memory_space<vmem>> -> memref<1x80xi32, #tpu.memory_space<vmem>>
          %dma_wait3A_185 = tpu.memref_squeeze %dma_wait3A_184 : memref<1x80xi32, #tpu.memory_space<vmem>> -> memref<80xi32, #tpu.memory_space<vmem>>
          %dma_wait3A_186 = arith.constant 0 : i32
          %dma_wait3A_187 = tpu.memref_slice %arg3[%dma_wait3A_186] : memref<320000xi32, #tpu.memory_space<hbm>> -> memref<80xi32, #tpu.memory_space<hbm>>
          tpu.wait_dma2 semaphore(%arg13 : memref<!tpu.dma_semaphore, #tpu.memory_space<semaphore_mem>>) src(%dma_wait3A_187 : memref<80xi32, #tpu.memory_space<hbm>>) dst(%dma_wait3A_185 : memref<80xi32, #tpu.memory_space<vmem>>)
          %dma_start3A_188 = arith.constant 2 : i32
          %dma_start3A_189 = arith.constant 2 : i32
          %dma_start3A_190 = arith.constant 0 : i32
          %dma_start3A_191 = arith.constant 0 : i32
          %dma_start3A_192 = tpu.memref_slice %arg9[%dma_start3A_189, %dma_start3A_190, %dma_start3A_191] : memref<3x80x128xf32, #tpu.memory_space<vmem>> -> memref<1x80x128xf32, #tpu.memory_space<vmem>>
          %dma_start3A_193 = tpu.memref_squeeze %dma_start3A_192 : memref<1x80x128xf32, #tpu.memory_space<vmem>> -> memref<80x128xf32, #tpu.memory_space<vmem>>
          %dma_start3A_194 = arith.constant 0 : i32
          %dma_start3A_195 = tpu.memref_slice %arg7[%dma_start3A_188, %dma_start3A_194] : memref<3x80xi32, #tpu.memory_space<vmem>> -> memref<1x80xi32, #tpu.memory_space<vmem>>
          %dma_start3A_196 = tpu.memref_squeeze %dma_start3A_195 : memref<1x80xi32, #tpu.memory_space<vmem>> -> memref<80xi32, #tpu.memory_space<vmem>>
          %dma_start3A_197 = arith.constant 0 : i32
          %dma_start3A_198 = arith.constant 0 : i32
          %dma_start3A_199 = tpu.memref_slice %arg2[%dma_start3A_197, %dma_start3A_198] : memref<10000x128xf32, #tpu.memory_space<hbm>> -> memref<10000x128xf32, #tpu.memory_space<hbm>>
          tpu.enqueue_indirect_dma source(%dma_start3A_199 : memref<10000x128xf32, #tpu.memory_space<hbm>>) target(%dma_start3A_193 : memref<80x128xf32, #tpu.memory_space<vmem>>) offsets(%dma_start3A_196 : memref<80xi32, #tpu.memory_space<vmem>>) semaphore(%arg16 : memref<!tpu.dma_semaphore, #tpu.memory_space<semaphore_mem>>)
        } else {
        }
      } else {
      }
      %rem3A = arith.constant 3 : i32
      %rem3A_126 = arith.remsi %scan3A_112, %rem3A : i32
      %eq3A_127 = arith.constant 0 : i32
      %eq3A_128 = arith.cmpi eq, %rem3A_126, %eq3A_127 : i32
      %convert_element_type3A_129 = arith.extui %eq3A_128 : i1 to i32
      %cond3A_130 = arith.constant 0 : i32
      %cond3A_131 = arith.cmpi ne, %convert_element_type3A_129, %cond3A_130 : i32
      scf.if %cond3A_131 {
        %dma_wait3A_146 = arith.constant 0 : i32
        %dma_wait3A_147 = arith.constant 0 : i32
        %dma_wait3A_148 = arith.constant 0 : i32
        %dma_wait3A_149 = arith.constant 0 : i32
        %dma_wait3A_150 = tpu.memref_slice %arg9[%dma_wait3A_147, %dma_wait3A_148, %dma_wait3A_149] : memref<3x80x128xf32, #tpu.memory_space<vmem>> -> memref<1x80x128xf32, #tpu.memory_space<vmem>>
        %dma_wait3A_151 = tpu.memref_squeeze %dma_wait3A_150 : memref<1x80x128xf32, #tpu.memory_space<vmem>> -> memref<80x128xf32, #tpu.memory_space<vmem>>
        %dma_wait3A_152 = arith.constant 0 : i32
        %dma_wait3A_153 = tpu.memref_slice %arg7[%dma_wait3A_146, %dma_wait3A_152] : memref<3x80xi32, #tpu.memory_space<vmem>> -> memref<1x80xi32, #tpu.memory_space<vmem>>
        %dma_wait3A_154 = tpu.memref_squeeze %dma_wait3A_153 : memref<1x80xi32, #tpu.memory_space<vmem>> -> memref<80xi32, #tpu.memory_space<vmem>>
        %dma_wait3A_155 = arith.constant 0 : i32
        %dma_wait3A_156 = arith.constant 0 : i32
        %dma_wait3A_157 = tpu.memref_slice %arg2[%dma_wait3A_155, %dma_wait3A_156] : memref<10000x128xf32, #tpu.memory_space<hbm>> -> memref<10000x128xf32, #tpu.memory_space<hbm>>
        tpu.wait_indirect_dma semaphore(%arg14 : memref<!tpu.dma_semaphore, #tpu.memory_space<semaphore_mem>>) src(%dma_wait3A_157 : memref<10000x128xf32, #tpu.memory_space<hbm>>) dst(%dma_wait3A_151 : memref<80x128xf32, #tpu.memory_space<vmem>>)
        %dma_start3A_158 = arith.constant 0 : i32
        %dma_start3A_159 = arith.constant 0 : i32
        %dma_start3A_160 = arith.constant 0 : i32
        %dma_start3A_161 = tpu.memref_slice %arg9[%dma_start3A_158, %dma_start3A_159, %dma_start3A_160] : memref<3x80x128xf32, #tpu.memory_space<vmem>> -> memref<1x80x128xf32, #tpu.memory_space<vmem>>
        %dma_start3A_162 = tpu.memref_squeeze %dma_start3A_161 : memref<1x80x128xf32, #tpu.memory_space<vmem>> -> memref<80x128xf32, #tpu.memory_space<vmem>>
        %dma_start3A_163 = arith.constant 0 : i32
        %dma_start3A_164 = tpu.memref_slice %arg8[%scan3A_112, %dma_start3A_163] : memref<125x80xi32, #tpu.memory_space<vmem>> -> memref<1x80xi32, #tpu.memory_space<vmem>>
        %dma_start3A_165 = tpu.memref_squeeze %dma_start3A_164 : memref<1x80xi32, #tpu.memory_space<vmem>> -> memref<80xi32, #tpu.memory_space<vmem>>
        %dma_start3A_166 = arith.constant 0 : i32
        %dma_start3A_167 = arith.constant 0 : i32
        %dma_start3A_168 = tpu.memref_slice %arg10[%dma_start3A_166, %dma_start3A_167] : memref<10000x128xf32, #tpu.memory_space<vmem_shared>> -> memref<10000x128xf32, #tpu.memory_space<vmem_shared>>
        tpu.enqueue_indirect_dma source(%dma_start3A_162 : memref<80x128xf32, #tpu.memory_space<vmem>>) target(%dma_start3A_168 : memref<10000x128xf32, #tpu.memory_space<vmem_shared>>) offsets(%dma_start3A_165 : memref<80xi32, #tpu.memory_space<vmem>>) semaphore(%arg17 : memref<!tpu.dma_semaphore, #tpu.memory_space<semaphore_mem>>) {add = true}
      } else {
      }
      %rem3A_132 = arith.constant 3 : i32
      %rem3A_133 = arith.remsi %scan3A_112, %rem3A_132 : i32
      %eq3A_134 = arith.constant 1 : i32
      %eq3A_135 = arith.cmpi eq, %rem3A_133, %eq3A_134 : i32
      %convert_element_type3A_136 = arith.extui %eq3A_135 : i1 to i32
      %cond3A_137 = arith.constant 0 : i32
      %cond3A_138 = arith.cmpi ne, %convert_element_type3A_136, %cond3A_137 : i32
      scf.if %cond3A_138 {
        %dma_wait3A_146 = arith.constant 1 : i32
        %dma_wait3A_147 = arith.constant 1 : i32
        %dma_wait3A_148 = arith.constant 0 : i32
        %dma_wait3A_149 = arith.constant 0 : i32
        %dma_wait3A_150 = tpu.memref_slice %arg9[%dma_wait3A_147, %dma_wait3A_148, %dma_wait3A_149] : memref<3x80x128xf32, #tpu.memory_space<vmem>> -> memref<1x80x128xf32, #tpu.memory_space<vmem>>
        %dma_wait3A_151 = tpu.memref_squeeze %dma_wait3A_150 : memref<1x80x128xf32, #tpu.memory_space<vmem>> -> memref<80x128xf32, #tpu.memory_space<vmem>>
        %dma_wait3A_152 = arith.constant 0 : i32
        %dma_wait3A_153 = tpu.memref_slice %arg7[%dma_wait3A_146, %dma_wait3A_152] : memref<3x80xi32, #tpu.memory_space<vmem>> -> memref<1x80xi32, #tpu.memory_space<vmem>>
        %dma_wait3A_154 = tpu.memref_squeeze %dma_wait3A_153 : memref<1x80xi32, #tpu.memory_space<vmem>> -> memref<80xi32, #tpu.memory_space<vmem>>
        %dma_wait3A_155 = arith.constant 0 : i32
        %dma_wait3A_156 = arith.constant 0 : i32
        %dma_wait3A_157 = tpu.memref_slice %arg2[%dma_wait3A_155, %dma_wait3A_156] : memref<10000x128xf32, #tpu.memory_space<hbm>> -> memref<10000x128xf32, #tpu.memory_space<hbm>>
        tpu.wait_indirect_dma semaphore(%arg15 : memref<!tpu.dma_semaphore, #tpu.memory_space<semaphore_mem>>) src(%dma_wait3A_157 : memref<10000x128xf32, #tpu.memory_space<hbm>>) dst(%dma_wait3A_151 : memref<80x128xf32, #tpu.memory_space<vmem>>)
        %dma_start3A_158 = arith.constant 1 : i32
        %dma_start3A_159 = arith.constant 0 : i32
        %dma_start3A_160 = arith.constant 0 : i32
        %dma_start3A_161 = tpu.memref_slice %arg9[%dma_start3A_158, %dma_start3A_159, %dma_start3A_160] : memref<3x80x128xf32, #tpu.memory_space<vmem>> -> memref<1x80x128xf32, #tpu.memory_space<vmem>>
        %dma_start3A_162 = tpu.memref_squeeze %dma_start3A_161 : memref<1x80x128xf32, #tpu.memory_space<vmem>> -> memref<80x128xf32, #tpu.memory_space<vmem>>
        %dma_start3A_163 = arith.constant 0 : i32
        %dma_start3A_164 = tpu.memref_slice %arg8[%scan3A_112, %dma_start3A_163] : memref<125x80xi32, #tpu.memory_space<vmem>> -> memref<1x80xi32, #tpu.memory_space<vmem>>
        %dma_start3A_165 = tpu.memref_squeeze %dma_start3A_164 : memref<1x80xi32, #tpu.memory_space<vmem>> -> memref<80xi32, #tpu.memory_space<vmem>>
        %dma_start3A_166 = arith.constant 0 : i32
        %dma_start3A_167 = arith.constant 0 : i32
        %dma_start3A_168 = tpu.memref_slice %arg10[%dma_start3A_166, %dma_start3A_167] : memref<10000x128xf32, #tpu.memory_space<vmem_shared>> -> memref<10000x128xf32, #tpu.memory_space<vmem_shared>>
        tpu.enqueue_indirect_dma source(%dma_start3A_162 : memref<80x128xf32, #tpu.memory_space<vmem>>) target(%dma_start3A_168 : memref<10000x128xf32, #tpu.memory_space<vmem_shared>>) offsets(%dma_start3A_165 : memref<80xi32, #tpu.memory_space<vmem>>) semaphore(%arg18 : memref<!tpu.dma_semaphore, #tpu.memory_space<semaphore_mem>>) {add = true}
      } else {
      }
      %rem3A_139 = arith.constant 3 : i32
      %rem3A_140 = arith.remsi %scan3A_112, %rem3A_139 : i32
      %eq3A_141 = arith.constant 2 : i32
      %eq3A_142 = arith.cmpi eq, %rem3A_140, %eq3A_141 : i32
      %convert_element_type3A_143 = arith.extui %eq3A_142 : i1 to i32
      %cond3A_144 = arith.constant 0 : i32
      %cond3A_145 = arith.cmpi ne, %convert_element_type3A_143, %cond3A_144 : i32
      scf.if %cond3A_145 {
        %dma_wait3A_146 = arith.constant 2 : i32
        %dma_wait3A_147 = arith.constant 2 : i32
        %dma_wait3A_148 = arith.constant 0 : i32
        %dma_wait3A_149 = arith.constant 0 : i32
        %dma_wait3A_150 = tpu.memref_slice %arg9[%dma_wait3A_147, %dma_wait3A_148, %dma_wait3A_149] : memref<3x80x128xf32, #tpu.memory_space<vmem>> -> memref<1x80x128xf32, #tpu.memory_space<vmem>>
        %dma_wait3A_151 = tpu.memref_squeeze %dma_wait3A_150 : memref<1x80x128xf32, #tpu.memory_space<vmem>> -> memref<80x128xf32, #tpu.memory_space<vmem>>
        %dma_wait3A_152 = arith.constant 0 : i32
        %dma_wait3A_153 = tpu.memref_slice %arg7[%dma_wait3A_146, %dma_wait3A_152] : memref<3x80xi32, #tpu.memory_space<vmem>> -> memref<1x80xi32, #tpu.memory_space<vmem>>
        %dma_wait3A_154 = tpu.memref_squeeze %dma_wait3A_153 : memref<1x80xi32, #tpu.memory_space<vmem>> -> memref<80xi32, #tpu.memory_space<vmem>>
        %dma_wait3A_155 = arith.constant 0 : i32
        %dma_wait3A_156 = arith.constant 0 : i32
        %dma_wait3A_157 = tpu.memref_slice %arg2[%dma_wait3A_155, %dma_wait3A_156] : memref<10000x128xf32, #tpu.memory_space<hbm>> -> memref<10000x128xf32, #tpu.memory_space<hbm>>
        tpu.wait_indirect_dma semaphore(%arg16 : memref<!tpu.dma_semaphore, #tpu.memory_space<semaphore_mem>>) src(%dma_wait3A_157 : memref<10000x128xf32, #tpu.memory_space<hbm>>) dst(%dma_wait3A_151 : memref<80x128xf32, #tpu.memory_space<vmem>>)
        %dma_start3A_158 = arith.constant 2 : i32
        %dma_start3A_159 = arith.constant 0 : i32
        %dma_start3A_160 = arith.constant 0 : i32
        %dma_start3A_161 = tpu.memref_slice %arg9[%dma_start3A_158, %dma_start3A_159, %dma_start3A_160] : memref<3x80x128xf32, #tpu.memory_space<vmem>> -> memref<1x80x128xf32, #tpu.memory_space<vmem>>
        %dma_start3A_162 = tpu.memref_squeeze %dma_start3A_161 : memref<1x80x128xf32, #tpu.memory_space<vmem>> -> memref<80x128xf32, #tpu.memory_space<vmem>>
        %dma_start3A_163 = arith.constant 0 : i32
        %dma_start3A_164 = tpu.memref_slice %arg8[%scan3A_112, %dma_start3A_163] : memref<125x80xi32, #tpu.memory_space<vmem>> -> memref<1x80xi32, #tpu.memory_space<vmem>>
        %dma_start3A_165 = tpu.memref_squeeze %dma_start3A_164 : memref<1x80xi32, #tpu.memory_space<vmem>> -> memref<80xi32, #tpu.memory_space<vmem>>
        %dma_start3A_166 = arith.constant 0 : i32
        %dma_start3A_167 = arith.constant 0 : i32
        %dma_start3A_168 = tpu.memref_slice %arg10[%dma_start3A_166, %dma_start3A_167] : memref<10000x128xf32, #tpu.memory_space<vmem_shared>> -> memref<10000x128xf32, #tpu.memory_space<vmem_shared>>
        tpu.enqueue_indirect_dma source(%dma_start3A_162 : memref<80x128xf32, #tpu.memory_space<vmem>>) target(%dma_start3A_168 : memref<10000x128xf32, #tpu.memory_space<vmem_shared>>) offsets(%dma_start3A_165 : memref<80xi32, #tpu.memory_space<vmem>>) semaphore(%arg19 : memref<!tpu.dma_semaphore, #tpu.memory_space<semaphore_mem>>) {add = true}
      } else {
      }
    }
    %scan3A_73 = arith.constant 125 : i32
    %dma_wait3A_74 = arith.constant 0 : i32
    %dma_wait3A_75 = arith.constant 0 : i32
    %dma_wait3A_76 = arith.constant 0 : i32
    %dma_wait3A_77 = arith.constant 0 : i32
    %dma_wait3A_78 = tpu.memref_slice %arg9[%dma_wait3A_74, %dma_wait3A_76, %dma_wait3A_77] : memref<3x80x128xf32, #tpu.memory_space<vmem>> -> memref<1x80x128xf32, #tpu.memory_space<vmem>>
    %dma_wait3A_79 = tpu.memref_squeeze %dma_wait3A_78 : memref<1x80x128xf32, #tpu.memory_space<vmem>> -> memref<80x128xf32, #tpu.memory_space<vmem>>
    %dma_wait3A_80 = arith.constant 0 : i32
    %dma_wait3A_81 = tpu.memref_slice %arg8[%dma_wait3A_75, %dma_wait3A_80] : memref<125x80xi32, #tpu.memory_space<vmem>> -> memref<1x80xi32, #tpu.memory_space<vmem>>
    %dma_wait3A_82 = tpu.memref_squeeze %dma_wait3A_81 : memref<1x80xi32, #tpu.memory_space<vmem>> -> memref<80xi32, #tpu.memory_space<vmem>>
    %dma_wait3A_83 = arith.constant 0 : i32
    %dma_wait3A_84 = arith.constant 0 : i32
    %dma_wait3A_85 = tpu.memref_slice %arg10[%dma_wait3A_83, %dma_wait3A_84] : memref<10000x128xf32, #tpu.memory_space<vmem_shared>> -> memref<10000x128xf32, #tpu.memory_space<vmem_shared>>
    tpu.wait_indirect_dma semaphore(%arg17 : memref<!tpu.dma_semaphore, #tpu.memory_space<semaphore_mem>>) src(%dma_wait3A_79 : memref<80x128xf32, #tpu.memory_space<vmem>>) dst(%dma_wait3A_85 : memref<10000x128xf32, #tpu.memory_space<vmem_shared>>)
    %dma_wait3A_86 = arith.constant 1 : i32
    %dma_wait3A_87 = arith.constant 0 : i32
    %dma_wait3A_88 = arith.constant 0 : i32
    %dma_wait3A_89 = arith.constant 0 : i32
    %dma_wait3A_90 = tpu.memref_slice %arg9[%dma_wait3A_86, %dma_wait3A_88, %dma_wait3A_89] : memref<3x80x128xf32, #tpu.memory_space<vmem>> -> memref<1x80x128xf32, #tpu.memory_space<vmem>>
    %dma_wait3A_91 = tpu.memref_squeeze %dma_wait3A_90 : memref<1x80x128xf32, #tpu.memory_space<vmem>> -> memref<80x128xf32, #tpu.memory_space<vmem>>
    %dma_wait3A_92 = arith.constant 0 : i32
    %dma_wait3A_93 = tpu.memref_slice %arg8[%dma_wait3A_87, %dma_wait3A_92] : memref<125x80xi32, #tpu.memory_space<vmem>> -> memref<1x80xi32, #tpu.memory_space<vmem>>
    %dma_wait3A_94 = tpu.memref_squeeze %dma_wait3A_93 : memref<1x80xi32, #tpu.memory_space<vmem>> -> memref<80xi32, #tpu.memory_space<vmem>>
    %dma_wait3A_95 = arith.constant 0 : i32
    %dma_wait3A_96 = arith.constant 0 : i32
    %dma_wait3A_97 = tpu.memref_slice %arg10[%dma_wait3A_95, %dma_wait3A_96] : memref<10000x128xf32, #tpu.memory_space<vmem_shared>> -> memref<10000x128xf32, #tpu.memory_space<vmem_shared>>
    tpu.wait_indirect_dma semaphore(%arg18 : memref<!tpu.dma_semaphore, #tpu.memory_space<semaphore_mem>>) src(%dma_wait3A_91 : memref<80x128xf32, #tpu.memory_space<vmem>>) dst(%dma_wait3A_97 : memref<10000x128xf32, #tpu.memory_space<vmem_shared>>)
    %barrier3A_98 = arith.constant 0 : index
    tpu.barrier barrier_id(%barrier3A_98)
    %mul3A_99 = arith.constant 10000 : i32
    %mul3A_100 = arith.muli %arg0, %mul3A_99 : i32
    %mul3A_101 = arith.constant 624 : i32
    %mul3A_102 = arith.muli %arg1, %mul3A_101 : i32
    %add3A_103 = arith.addi %mul3A_100, %mul3A_102 : i32
    %multiple_of3A_104 = tpu.assume_multiple %add3A_103, 8 : i32
    %mul3A_105 = arith.constant 624 : i32
    %mul3A_106 = arith.muli %arg1, %mul3A_105 : i32
    "tpu.region"() ({
      %run_scoped3A = tpu.sem_alloc : memref<!tpu.dma_semaphore, #tpu.memory_space<semaphore_mem>>
      %dma_start3A_112 = arith.constant 0 : i32
      %dma_start3A_113 = tpu.memref_slice %arg6[%multiple_of3A_104, %dma_start3A_112] : memref<20000x128xf32, #tpu.memory_space<hbm>> -> memref<624x128xf32, #tpu.memory_space<hbm>>
      %dma_start3A_114 = arith.constant 0 : i32
      %dma_start3A_115 = tpu.memref_slice %arg10[%mul3A_106, %dma_start3A_114] : memref<10000x128xf32, #tpu.memory_space<vmem_shared>> -> memref<624x128xf32, #tpu.memory_space<vmem_shared>>
      tpu.enqueue_dma source(%dma_start3A_115 : memref<624x128xf32, #tpu.memory_space<vmem_shared>>) target(%dma_start3A_113 : memref<624x128xf32, #tpu.memory_space<hbm>>) target_semaphore(%run_scoped3A : memref<!tpu.dma_semaphore, #tpu.memory_space<semaphore_mem>>)
      %dma_wait3A_116 = arith.constant 0 : i32
      %dma_wait3A_117 = tpu.memref_slice %arg6[%multiple_of3A_104, %dma_wait3A_116] : memref<20000x128xf32, #tpu.memory_space<hbm>> -> memref<624x128xf32, #tpu.memory_space<hbm>>
      %dma_wait3A_118 = arith.constant 0 : i32
      %dma_wait3A_119 = tpu.memref_slice %arg10[%mul3A_106, %dma_wait3A_118] : memref<10000x128xf32, #tpu.memory_space<vmem_shared>> -> memref<624x128xf32, #tpu.memory_space<vmem_shared>>
      tpu.wait_dma2 semaphore(%run_scoped3A : memref<!tpu.dma_semaphore, #tpu.memory_space<semaphore_mem>>) src(%dma_wait3A_119 : memref<624x128xf32, #tpu.memory_space<vmem_shared>>) dst(%dma_wait3A_117 : memref<624x128xf32, #tpu.memory_space<hbm>>)
      tpu.yield
    }) : () -> ()
    %eq3A_107 = arith.constant 0 : i32
    %eq3A_108 = arith.cmpi eq, %arg1, %eq3A_107 : i32
    %convert_element_type3A_109 = arith.extui %eq3A_108 : i1 to i32
    %cond3A_110 = arith.constant 0 : i32
    %cond3A_111 = arith.cmpi ne, %convert_element_type3A_109, %cond3A_110 : i32
    scf.if %cond3A_111 {
      %mul3A_112 = arith.constant 10000 : i32
      %mul3A_113 = arith.muli %arg0, %mul3A_112 : i32
      %add3A_114 = arith.constant 9984 : i32
      %add3A_115 = arith.addi %mul3A_113, %add3A_114 : i32
      %multiple_of3A_116 = tpu.assume_multiple %add3A_115, 8 : i32
      "tpu.region"() ({
        %run_scoped3A = tpu.sem_alloc : memref<!tpu.dma_semaphore, #tpu.memory_space<semaphore_mem>>
        %dma_start3A_117 = arith.constant 0 : i32
        %dma_start3A_118 = tpu.memref_slice %arg6[%multiple_of3A_116, %dma_start3A_117] : memref<20000x128xf32, #tpu.memory_space<hbm>> -> memref<16x128xf32, #tpu.memory_space<hbm>>
        %dma_start3A_119 = arith.constant 9984 : i32
        %dma_start3A_120 = arith.constant 0 : i32
        %dma_start3A_121 = tpu.memref_slice %arg10[%dma_start3A_119, %dma_start3A_120] : memref<10000x128xf32, #tpu.memory_space<vmem_shared>> -> memref<16x128xf32, #tpu.memory_space<vmem_shared>>
        tpu.enqueue_dma source(%dma_start3A_121 : memref<16x128xf32, #tpu.memory_space<vmem_shared>>) target(%dma_start3A_118 : memref<16x128xf32, #tpu.memory_space<hbm>>) target_semaphore(%run_scoped3A : memref<!tpu.dma_semaphore, #tpu.memory_space<semaphore_mem>>)
        %dma_wait3A_122 = arith.constant 0 : i32
        %dma_wait3A_123 = tpu.memref_slice %arg6[%multiple_of3A_116, %dma_wait3A_122] : memref<20000x128xf32, #tpu.memory_space<hbm>> -> memref<16x128xf32, #tpu.memory_space<hbm>>
        %dma_wait3A_124 = arith.constant 9984 : i32
        %dma_wait3A_125 = arith.constant 0 : i32
        %dma_wait3A_126 = tpu.memref_slice %arg10[%dma_wait3A_124, %dma_wait3A_125] : memref<10000x128xf32, #tpu.memory_space<vmem_shared>> -> memref<16x128xf32, #tpu.memory_space<vmem_shared>>
        tpu.wait_dma2 semaphore(%run_scoped3A : memref<!tpu.dma_semaphore, #tpu.memory_space<semaphore_mem>>) src(%dma_wait3A_126 : memref<16x128xf32, #tpu.memory_space<vmem_shared>>) dst(%dma_wait3A_123 : memref<16x128xf32, #tpu.memory_space<hbm>>)
        tpu.yield
      }) : () -> ()
    } else {
    }
    return
  }
}

#map = affine_map<(d0, d1) -> (0, 0)>
#map1 = affine_map<(d0, d1) -> (0)>
#map2 = affine_map<(d0, d1) -> (0, 0, 0)>
module attributes {stable_mosaic.version = 14 : i64} {
  func.func @_sc_aggregate(%arg0: i32, %arg1: i32, %arg2: memref<10000x128xf32, #tpu.memory_space<hbm>>, %arg3: memref<320000xi32, #tpu.memory_space<hbm>>, %arg4: memref<32x125x80xi32, #tpu.memory_space<hbm>>, %arg5: memref<624x128xf32, #tpu.memory_space<hbm>>, %arg6: memref<20000x128xf32, #tpu.memory_space<hbm>>, %arg7: memref<3x80xi32, #tpu.memory_space<vmem>>, %arg8: memref<125x80xi32, #tpu.memory_space<vmem>>, %arg9: memref<3x80x128xf32, #tpu.memory_space<vmem>>, %arg10: memref<10000x128xf32, #tpu.memory_space<vmem_shared>>, %arg11: memref<!tpu.dma_semaphore, #tpu.memory_space<semaphore_mem>>, %arg12: memref<!tpu.dma_semaphore, #tpu.memory_space<semaphore_mem>>, %arg13: memref<!tpu.dma_semaphore, #tpu.memory_space<semaphore_mem>>, %arg14: memref<!tpu.dma_semaphore, #tpu.memory_space<semaphore_mem>>, %arg15: memref<!tpu.dma_semaphore, #tpu.memory_space<semaphore_mem>>, %arg16: memref<!tpu.dma_semaphore, #tpu.memory_space<semaphore_mem>>, %arg17: memref<!tpu.dma_semaphore, #tpu.memory_space<semaphore_mem>>, %arg18: memref<!tpu.dma_semaphore, #tpu.memory_space<semaphore_mem>>, %arg19: memref<!tpu.dma_semaphore, #tpu.memory_space<semaphore_mem>>, %arg20: memref<!tpu.dma_semaphore, #tpu.memory_space<semaphore_mem>>) attributes {dimension_semantics = [#tpu.dimension_semantics<core_parallel>, #tpu.dimension_semantics<subcore_parallel>], iteration_bounds = array<i64: 2, 16>, scalar_prefetch = 0 : i64, scratch_operands = 14 : i64, tpu.core_type = #tpu.core_type<sc_vector_subcore>, window_params = [{transform_indices = #map}, {transform_indices = #map1}, {transform_indices = #map2}, {transform_indices = #map}, {transform_indices = #map}]} {
    %mul3A = arith.constant 16 : i32
    %mul3A_0 = arith.muli %arg0, %mul3A : i32
    %add3A = arith.addi %mul3A_0, %arg1 : i32
    %mul3A_1 = arith.constant 10000 : i32
    %mul3A_2 = arith.muli %add3A, %mul3A_1 : i32
    %multiple_of3A = tpu.assume_multiple %mul3A_2, 8 : i32
    %mul3A_3 = arith.constant 624 : i32
    %mul3A_4 = arith.muli %arg1, %mul3A_3 : i32
    %dma_start3A = arith.constant 0 : i32
    %dma_start3A_5 = tpu.memref_slice %arg10[%mul3A_4, %dma_start3A] : memref<10000x128xf32, #tpu.memory_space<vmem_shared>> -> memref<624x128xf32, #tpu.memory_space<vmem_shared>>
    %dma_start3A_6 = arith.constant 0 : i32
    %dma_start3A_7 = arith.constant 0 : i32
    %dma_start3A_8 = tpu.memref_slice %arg5[%dma_start3A_6, %dma_start3A_7] : memref<624x128xf32, #tpu.memory_space<hbm>> -> memref<624x128xf32, #tpu.memory_space<hbm>>
    tpu.enqueue_dma source(%dma_start3A_8 : memref<624x128xf32, #tpu.memory_space<hbm>>) target(%dma_start3A_5 : memref<624x128xf32, #tpu.memory_space<vmem_shared>>) target_semaphore(%arg20 : memref<!tpu.dma_semaphore, #tpu.memory_space<semaphore_mem>>)
    %eq3A = arith.constant 0 : i32
    %eq3A_9 = arith.cmpi eq, %arg1, %eq3A : i32
    %convert_element_type3A = arith.extui %eq3A_9 : i1 to i32
    %cond3A = arith.constant 0 : i32
    %cond3A_10 = arith.cmpi ne, %convert_element_type3A, %cond3A : i32
    scf.if %cond3A_10 {
      %dma_start3A_112 = arith.constant 9984 : i32
      %dma_start3A_113 = arith.constant 0 : i32
      %dma_start3A_114 = tpu.memref_slice %arg10[%dma_start3A_112, %dma_start3A_113] : memref<10000x128xf32, #tpu.memory_space<vmem_shared>> -> memref<16x128xf32, #tpu.memory_space<vmem_shared>>
      %dma_start3A_115 = arith.constant 0 : i32
      %dma_start3A_116 = arith.constant 0 : i32
      %dma_start3A_117 = tpu.memref_slice %arg5[%dma_start3A_115, %dma_start3A_116] : memref<624x128xf32, #tpu.memory_space<hbm>> -> memref<16x128xf32, #tpu.memory_space<hbm>>
      tpu.enqueue_dma source(%dma_start3A_117 : memref<16x128xf32, #tpu.memory_space<hbm>>) target(%dma_start3A_114 : memref<16x128xf32, #tpu.memory_space<vmem_shared>>) target_semaphore(%arg20 : memref<!tpu.dma_semaphore, #tpu.memory_space<semaphore_mem>>)
    } else {
    }
    "tpu.region"() ({
      %run_scoped3A = tpu.sem_alloc : memref<!tpu.dma_semaphore, #tpu.memory_space<semaphore_mem>>
      %dma_start3A_112 = arith.constant 0 : i32
      %dma_start3A_113 = arith.constant 0 : i32
      %dma_start3A_114 = tpu.memref_slice %arg4[%add3A, %dma_start3A_112, %dma_start3A_113] : memref<32x125x80xi32, #tpu.memory_space<hbm>> -> memref<1x125x80xi32, #tpu.memory_space<hbm>>
      %dma_start3A_115 = tpu.memref_squeeze %dma_start3A_114 : memref<1x125x80xi32, #tpu.memory_space<hbm>> -> memref<125x80xi32, #tpu.memory_space<hbm>>
      %dma_start3A_116 = arith.constant 0 : i32
      %dma_start3A_117 = arith.constant 0 : i32
      %dma_start3A_118 = tpu.memref_slice %arg4[%add3A, %dma_start3A_116, %dma_start3A_117] : memref<32x125x80xi32, #tpu.memory_space<hbm>> -> memref<1x125x80xi32, #tpu.memory_space<hbm>>
      %dma_start3A_119 = tpu.memref_squeeze %dma_start3A_118 : memref<1x125x80xi32, #tpu.memory_space<hbm>> -> memref<125x80xi32, #tpu.memory_space<hbm>>
      tpu.enqueue_dma source(%dma_start3A_119 : memref<125x80xi32, #tpu.memory_space<hbm>>) target(%arg8 : memref<125x80xi32, #tpu.memory_space<vmem>>) target_semaphore(%run_scoped3A : memref<!tpu.dma_semaphore, #tpu.memory_space<semaphore_mem>>)
      %dma_wait3A_120 = arith.constant 0 : i32
      %dma_wait3A_121 = arith.constant 0 : i32
      %dma_wait3A_122 = tpu.memref_slice %arg4[%add3A, %dma_wait3A_120, %dma_wait3A_121] : memref<32x125x80xi32, #tpu.memory_space<hbm>> -> memref<1x125x80xi32, #tpu.memory_space<hbm>>
      %dma_wait3A_123 = tpu.memref_squeeze %dma_wait3A_122 : memref<1x125x80xi32, #tpu.memory_space<hbm>> -> memref<125x80xi32, #tpu.memory_space<hbm>>
      %dma_wait3A_124 = arith.constant 0 : i32
      %dma_wait3A_125 = arith.constant 0 : i32
      %dma_wait3A_126 = tpu.memref_slice %arg4[%add3A, %dma_wait3A_124, %dma_wait3A_125] : memref<32x125x80xi32, #tpu.memory_space<hbm>> -> memref<1x125x80xi32, #tpu.memory_space<hbm>>
      %dma_wait3A_127 = tpu.memref_squeeze %dma_wait3A_126 : memref<1x125x80xi32, #tpu.memory_space<hbm>> -> memref<125x80xi32, #tpu.memory_space<hbm>>
      tpu.wait_dma2 semaphore(%run_scoped3A : memref<!tpu.dma_semaphore, #tpu.memory_space<semaphore_mem>>) src(%dma_wait3A_127 : memref<125x80xi32, #tpu.memory_space<hbm>>) dst(%arg8 : memref<125x80xi32, #tpu.memory_space<vmem>>)
      tpu.yield
    }) : () -> ()
    %add3A_11 = arith.constant 0 : i32
    %add3A_12 = arith.addi %multiple_of3A, %add3A_11 : i32
    %multiple_of3A_13 = tpu.assume_multiple %add3A_12, 8 : i32
    %dma_start3A_14 = arith.constant 0 : i32
    %dma_start3A_15 = arith.constant 0 : i32
    %dma_start3A_16 = tpu.memref_slice %arg7[%dma_start3A_14, %dma_start3A_15] : memref<3x80xi32, #tpu.memory_space<vmem>> -> memref<1x80xi32, #tpu.memory_space<vmem>>
    %dma_start3A_17 = tpu.memref_squeeze %dma_start3A_16 : memref<1x80xi32, #tpu.memory_space<vmem>> -> memref<80xi32, #tpu.memory_space<vmem>>
    %dma_start3A_18 = tpu.memref_slice %arg3[%multiple_of3A_13] : memref<320000xi32, #tpu.memory_space<hbm>> -> memref<80xi32, #tpu.memory_space<hbm>>
    %dma_start3A_19 = arith.constant 0 : i32
    %dma_start3A_20 = tpu.memref_slice %arg7[%dma_start3A_14, %dma_start3A_19] : memref<3x80xi32, #tpu.memory_space<vmem>> -> memref<1x80xi32, #tpu.memory_space<vmem>>
    %dma_start3A_21 = tpu.memref_squeeze %dma_start3A_20 : memref<1x80xi32, #tpu.memory_space<vmem>> -> memref<80xi32, #tpu.memory_space<vmem>>
    %dma_start3A_22 = tpu.memref_slice %arg3[%multiple_of3A_13] : memref<320000xi32, #tpu.memory_space<hbm>> -> memref<80xi32, #tpu.memory_space<hbm>>
    tpu.enqueue_dma source(%dma_start3A_22 : memref<80xi32, #tpu.memory_space<hbm>>) target(%dma_start3A_21 : memref<80xi32, #tpu.memory_space<vmem>>) target_semaphore(%arg11 : memref<!tpu.dma_semaphore, #tpu.memory_space<semaphore_mem>>)
    %add3A_23 = arith.constant 80 : i32
    %add3A_24 = arith.addi %multiple_of3A, %add3A_23 : i32
    %multiple_of3A_25 = tpu.assume_multiple %add3A_24, 8 : i32
    %dma_start3A_26 = arith.constant 1 : i32
    %dma_start3A_27 = arith.constant 0 : i32
    %dma_start3A_28 = tpu.memref_slice %arg7[%dma_start3A_26, %dma_start3A_27] : memref<3x80xi32, #tpu.memory_space<vmem>> -> memref<1x80xi32, #tpu.memory_space<vmem>>
    %dma_start3A_29 = tpu.memref_squeeze %dma_start3A_28 : memref<1x80xi32, #tpu.memory_space<vmem>> -> memref<80xi32, #tpu.memory_space<vmem>>
    %dma_start3A_30 = tpu.memref_slice %arg3[%multiple_of3A_25] : memref<320000xi32, #tpu.memory_space<hbm>> -> memref<80xi32, #tpu.memory_space<hbm>>
    %dma_start3A_31 = arith.constant 0 : i32
    %dma_start3A_32 = tpu.memref_slice %arg7[%dma_start3A_26, %dma_start3A_31] : memref<3x80xi32, #tpu.memory_space<vmem>> -> memref<1x80xi32, #tpu.memory_space<vmem>>
    %dma_start3A_33 = tpu.memref_squeeze %dma_start3A_32 : memref<1x80xi32, #tpu.memory_space<vmem>> -> memref<80xi32, #tpu.memory_space<vmem>>
    %dma_start3A_34 = tpu.memref_slice %arg3[%multiple_of3A_25] : memref<320000xi32, #tpu.memory_space<hbm>> -> memref<80xi32, #tpu.memory_space<hbm>>
    tpu.enqueue_dma source(%dma_start3A_34 : memref<80xi32, #tpu.memory_space<hbm>>) target(%dma_start3A_33 : memref<80xi32, #tpu.memory_space<vmem>>) target_semaphore(%arg12 : memref<!tpu.dma_semaphore, #tpu.memory_space<semaphore_mem>>)
    %dma_wait3A = arith.constant 0 : i32
    %dma_wait3A_35 = arith.constant 0 : i32
    %dma_wait3A_36 = tpu.memref_slice %arg7[%dma_wait3A, %dma_wait3A_35] : memref<3x80xi32, #tpu.memory_space<vmem>> -> memref<1x80xi32, #tpu.memory_space<vmem>>
    %dma_wait3A_37 = tpu.memref_squeeze %dma_wait3A_36 : memref<1x80xi32, #tpu.memory_space<vmem>> -> memref<80xi32, #tpu.memory_space<vmem>>
    %dma_wait3A_38 = arith.constant 0 : i32
    %dma_wait3A_39 = tpu.memref_slice %arg3[%dma_wait3A_38] : memref<320000xi32, #tpu.memory_space<hbm>> -> memref<80xi32, #tpu.memory_space<hbm>>
    %dma_wait3A_40 = arith.constant 0 : i32
    %dma_wait3A_41 = tpu.memref_slice %arg7[%dma_wait3A, %dma_wait3A_40] : memref<3x80xi32, #tpu.memory_space<vmem>> -> memref<1x80xi32, #tpu.memory_space<vmem>>
    %dma_wait3A_42 = tpu.memref_squeeze %dma_wait3A_41 : memref<1x80xi32, #tpu.memory_space<vmem>> -> memref<80xi32, #tpu.memory_space<vmem>>
    %dma_wait3A_43 = arith.constant 0 : i32
    %dma_wait3A_44 = tpu.memref_slice %arg3[%dma_wait3A_43] : memref<320000xi32, #tpu.memory_space<hbm>> -> memref<80xi32, #tpu.memory_space<hbm>>
    tpu.wait_dma2 semaphore(%arg11 : memref<!tpu.dma_semaphore, #tpu.memory_space<semaphore_mem>>) src(%dma_wait3A_44 : memref<80xi32, #tpu.memory_space<hbm>>) dst(%dma_wait3A_42 : memref<80xi32, #tpu.memory_space<vmem>>)
    %dma_start3A_45 = arith.constant 0 : i32
    %dma_start3A_46 = arith.constant 0 : i32
    %dma_start3A_47 = arith.constant 0 : i32
    %dma_start3A_48 = arith.constant 0 : i32
    %dma_start3A_49 = tpu.memref_slice %arg9[%dma_start3A_46, %dma_start3A_47, %dma_start3A_48] : memref<3x80x128xf32, #tpu.memory_space<vmem>> -> memref<1x80x128xf32, #tpu.memory_space<vmem>>
    %dma_start3A_50 = tpu.memref_squeeze %dma_start3A_49 : memref<1x80x128xf32, #tpu.memory_space<vmem>> -> memref<80x128xf32, #tpu.memory_space<vmem>>
    %dma_start3A_51 = arith.constant 0 : i32
    %dma_start3A_52 = tpu.memref_slice %arg7[%dma_start3A_45, %dma_start3A_51] : memref<3x80xi32, #tpu.memory_space<vmem>> -> memref<1x80xi32, #tpu.memory_space<vmem>>
    %dma_start3A_53 = tpu.memref_squeeze %dma_start3A_52 : memref<1x80xi32, #tpu.memory_space<vmem>> -> memref<80xi32, #tpu.memory_space<vmem>>
    %dma_start3A_54 = arith.constant 0 : i32
    %dma_start3A_55 = arith.constant 0 : i32
    %dma_start3A_56 = tpu.memref_slice %arg2[%dma_start3A_54, %dma_start3A_55] : memref<10000x128xf32, #tpu.memory_space<hbm>> -> memref<10000x128xf32, #tpu.memory_space<hbm>>
    tpu.enqueue_indirect_dma source(%dma_start3A_56 : memref<10000x128xf32, #tpu.memory_space<hbm>>) target(%dma_start3A_50 : memref<80x128xf32, #tpu.memory_space<vmem>>) offsets(%dma_start3A_53 : memref<80xi32, #tpu.memory_space<vmem>>) semaphore(%arg14 : memref<!tpu.dma_semaphore, #tpu.memory_space<semaphore_mem>>)
    %mul3A_57 = arith.constant 624 : i32
    %mul3A_58 = arith.muli %arg1, %mul3A_57 : i32
    %dma_wait3A_59 = arith.constant 0 : i32
    %dma_wait3A_60 = tpu.memref_slice %arg10[%mul3A_58, %dma_wait3A_59] : memref<10000x128xf32, #tpu.memory_space<vmem_shared>> -> memref<624x128xf32, #tpu.memory_space<vmem_shared>>
    %dma_wait3A_61 = arith.constant 0 : i32
    %dma_wait3A_62 = arith.constant 0 : i32
    %dma_wait3A_63 = tpu.memref_slice %arg5[%dma_wait3A_61, %dma_wait3A_62] : memref<624x128xf32, #tpu.memory_space<hbm>> -> memref<624x128xf32, #tpu.memory_space<hbm>>
    tpu.wait_dma2 semaphore(%arg20 : memref<!tpu.dma_semaphore, #tpu.memory_space<semaphore_mem>>) src(%dma_wait3A_63 : memref<624x128xf32, #tpu.memory_space<hbm>>) dst(%dma_wait3A_60 : memref<624x128xf32, #tpu.memory_space<vmem_shared>>)
    %eq3A_64 = arith.constant 0 : i32
    %eq3A_65 = arith.cmpi eq, %arg1, %eq3A_64 : i32
    %convert_element_type3A_66 = arith.extui %eq3A_65 : i1 to i32
    %cond3A_67 = arith.constant 0 : i32
    %cond3A_68 = arith.cmpi ne, %convert_element_type3A_66, %cond3A_67 : i32
    scf.if %cond3A_68 {
      %dma_wait3A_112 = arith.constant 9984 : i32
      %dma_wait3A_113 = arith.constant 0 : i32
      %dma_wait3A_114 = tpu.memref_slice %arg10[%dma_wait3A_112, %dma_wait3A_113] : memref<10000x128xf32, #tpu.memory_space<vmem_shared>> -> memref<16x128xf32, #tpu.memory_space<vmem_shared>>
      %dma_wait3A_115 = arith.constant 0 : i32
      %dma_wait3A_116 = arith.constant 0 : i32
      %dma_wait3A_117 = tpu.memref_slice %arg5[%dma_wait3A_115, %dma_wait3A_116] : memref<624x128xf32, #tpu.memory_space<hbm>> -> memref<16x128xf32, #tpu.memory_space<hbm>>
      tpu.wait_dma2 semaphore(%arg20 : memref<!tpu.dma_semaphore, #tpu.memory_space<semaphore_mem>>) src(%dma_wait3A_117 : memref<16x128xf32, #tpu.memory_space<hbm>>) dst(%dma_wait3A_114 : memref<16x128xf32, #tpu.memory_space<vmem_shared>>)
    } else {
    }
    %barrier3A = arith.constant 0 : index
    tpu.barrier barrier_id(%barrier3A)
    %scan3A = arith.constant 0 : i32
    %scan3A_69 = arith.constant 0 : i32
    %scan3A_70 = arith.constant 125 : i32
    %scan3A_71 = arith.addi %scan3A_69, %scan3A_70 : i32
    %scan3A_72 = arith.constant 1 : i32
    scf.for %scan3A_112 = %scan3A_69 to %scan3A_71 step %scan3A_72  : i32 {
      %add3A_113 = arith.constant 2 : i32
      %add3A_114 = arith.addi %scan3A_112, %add3A_113 : i32
      %lt3A = arith.constant 125 : i32
      %lt3A_115 = arith.cmpi slt, %add3A_114, %lt3A : i32
      %convert_element_type3A_116 = arith.extui %lt3A_115 : i1 to i32
      %cond3A_117 = arith.constant 0 : i32
      %cond3A_118 = arith.cmpi ne, %convert_element_type3A_116, %cond3A_117 : i32
      scf.if %cond3A_118 {
        %add3A_146 = arith.constant 2 : i32
        %add3A_147 = arith.addi %scan3A_112, %add3A_146 : i32
        %rem3A_148 = arith.constant 3 : i32
        %rem3A_149 = arith.remsi %add3A_147, %rem3A_148 : i32
        %eq3A_150 = arith.constant 0 : i32
        %eq3A_151 = arith.cmpi eq, %rem3A_149, %eq3A_150 : i32
        %convert_element_type3A_152 = arith.extui %eq3A_151 : i1 to i32
        %cond3A_153 = arith.constant 0 : i32
        %cond3A_154 = arith.cmpi ne, %convert_element_type3A_152, %cond3A_153 : i32
        scf.if %cond3A_154 {
          %add3A_173 = arith.constant 2 : i32
          %add3A_174 = arith.addi %scan3A_112, %add3A_173 : i32
          %mul3A_175 = arith.constant 80 : i32
          %mul3A_176 = arith.muli %add3A_174, %mul3A_175 : i32
          %add3A_177 = arith.addi %multiple_of3A, %mul3A_176 : i32
          %multiple_of3A_178 = tpu.assume_multiple %add3A_177, 8 : i32
          %dma_start3A_179 = arith.constant 0 : i32
          %dma_start3A_180 = arith.constant 0 : i32
          %dma_start3A_181 = tpu.memref_slice %arg7[%dma_start3A_179, %dma_start3A_180] : memref<3x80xi32, #tpu.memory_space<vmem>> -> memref<1x80xi32, #tpu.memory_space<vmem>>
          %dma_start3A_182 = tpu.memref_squeeze %dma_start3A_181 : memref<1x80xi32, #tpu.memory_space<vmem>> -> memref<80xi32, #tpu.memory_space<vmem>>
          %dma_start3A_183 = tpu.memref_slice %arg3[%multiple_of3A_178] : memref<320000xi32, #tpu.memory_space<hbm>> -> memref<80xi32, #tpu.memory_space<hbm>>
          %dma_start3A_184 = arith.constant 0 : i32
          %dma_start3A_185 = tpu.memref_slice %arg7[%dma_start3A_179, %dma_start3A_184] : memref<3x80xi32, #tpu.memory_space<vmem>> -> memref<1x80xi32, #tpu.memory_space<vmem>>
          %dma_start3A_186 = tpu.memref_squeeze %dma_start3A_185 : memref<1x80xi32, #tpu.memory_space<vmem>> -> memref<80xi32, #tpu.memory_space<vmem>>
          %dma_start3A_187 = tpu.memref_slice %arg3[%multiple_of3A_178] : memref<320000xi32, #tpu.memory_space<hbm>> -> memref<80xi32, #tpu.memory_space<hbm>>
          tpu.enqueue_dma source(%dma_start3A_187 : memref<80xi32, #tpu.memory_space<hbm>>) target(%dma_start3A_186 : memref<80xi32, #tpu.memory_space<vmem>>) target_semaphore(%arg11 : memref<!tpu.dma_semaphore, #tpu.memory_space<semaphore_mem>>)
        } else {
        }
        %add3A_155 = arith.constant 2 : i32
        %add3A_156 = arith.addi %scan3A_112, %add3A_155 : i32
        %rem3A_157 = arith.constant 3 : i32
        %rem3A_158 = arith.remsi %add3A_156, %rem3A_157 : i32
        %eq3A_159 = arith.constant 1 : i32
        %eq3A_160 = arith.cmpi eq, %rem3A_158, %eq3A_159 : i32
        %convert_element_type3A_161 = arith.extui %eq3A_160 : i1 to i32
        %cond3A_162 = arith.constant 0 : i32
        %cond3A_163 = arith.cmpi ne, %convert_element_type3A_161, %cond3A_162 : i32
        scf.if %cond3A_163 {
          %add3A_173 = arith.constant 2 : i32
          %add3A_174 = arith.addi %scan3A_112, %add3A_173 : i32
          %mul3A_175 = arith.constant 80 : i32
          %mul3A_176 = arith.muli %add3A_174, %mul3A_175 : i32
          %add3A_177 = arith.addi %multiple_of3A, %mul3A_176 : i32
          %multiple_of3A_178 = tpu.assume_multiple %add3A_177, 8 : i32
          %dma_start3A_179 = arith.constant 1 : i32
          %dma_start3A_180 = arith.constant 0 : i32
          %dma_start3A_181 = tpu.memref_slice %arg7[%dma_start3A_179, %dma_start3A_180] : memref<3x80xi32, #tpu.memory_space<vmem>> -> memref<1x80xi32, #tpu.memory_space<vmem>>
          %dma_start3A_182 = tpu.memref_squeeze %dma_start3A_181 : memref<1x80xi32, #tpu.memory_space<vmem>> -> memref<80xi32, #tpu.memory_space<vmem>>
          %dma_start3A_183 = tpu.memref_slice %arg3[%multiple_of3A_178] : memref<320000xi32, #tpu.memory_space<hbm>> -> memref<80xi32, #tpu.memory_space<hbm>>
          %dma_start3A_184 = arith.constant 0 : i32
          %dma_start3A_185 = tpu.memref_slice %arg7[%dma_start3A_179, %dma_start3A_184] : memref<3x80xi32, #tpu.memory_space<vmem>> -> memref<1x80xi32, #tpu.memory_space<vmem>>
          %dma_start3A_186 = tpu.memref_squeeze %dma_start3A_185 : memref<1x80xi32, #tpu.memory_space<vmem>> -> memref<80xi32, #tpu.memory_space<vmem>>
          %dma_start3A_187 = tpu.memref_slice %arg3[%multiple_of3A_178] : memref<320000xi32, #tpu.memory_space<hbm>> -> memref<80xi32, #tpu.memory_space<hbm>>
          tpu.enqueue_dma source(%dma_start3A_187 : memref<80xi32, #tpu.memory_space<hbm>>) target(%dma_start3A_186 : memref<80xi32, #tpu.memory_space<vmem>>) target_semaphore(%arg12 : memref<!tpu.dma_semaphore, #tpu.memory_space<semaphore_mem>>)
        } else {
        }
        %add3A_164 = arith.constant 2 : i32
        %add3A_165 = arith.addi %scan3A_112, %add3A_164 : i32
        %rem3A_166 = arith.constant 3 : i32
        %rem3A_167 = arith.remsi %add3A_165, %rem3A_166 : i32
        %eq3A_168 = arith.constant 2 : i32
        %eq3A_169 = arith.cmpi eq, %rem3A_167, %eq3A_168 : i32
        %convert_element_type3A_170 = arith.extui %eq3A_169 : i1 to i32
        %cond3A_171 = arith.constant 0 : i32
        %cond3A_172 = arith.cmpi ne, %convert_element_type3A_170, %cond3A_171 : i32
        scf.if %cond3A_172 {
          %add3A_173 = arith.constant 2 : i32
          %add3A_174 = arith.addi %scan3A_112, %add3A_173 : i32
          %mul3A_175 = arith.constant 80 : i32
          %mul3A_176 = arith.muli %add3A_174, %mul3A_175 : i32
          %add3A_177 = arith.addi %multiple_of3A, %mul3A_176 : i32
          %multiple_of3A_178 = tpu.assume_multiple %add3A_177, 8 : i32
          %dma_start3A_179 = arith.constant 2 : i32
          %dma_start3A_180 = arith.constant 0 : i32
          %dma_start3A_181 = tpu.memref_slice %arg7[%dma_start3A_179, %dma_start3A_180] : memref<3x80xi32, #tpu.memory_space<vmem>> -> memref<1x80xi32, #tpu.memory_space<vmem>>
          %dma_start3A_182 = tpu.memref_squeeze %dma_start3A_181 : memref<1x80xi32, #tpu.memory_space<vmem>> -> memref<80xi32, #tpu.memory_space<vmem>>
          %dma_start3A_183 = tpu.memref_slice %arg3[%multiple_of3A_178] : memref<320000xi32, #tpu.memory_space<hbm>> -> memref<80xi32, #tpu.memory_space<hbm>>
          %dma_start3A_184 = arith.constant 0 : i32
          %dma_start3A_185 = tpu.memref_slice %arg7[%dma_start3A_179, %dma_start3A_184] : memref<3x80xi32, #tpu.memory_space<vmem>> -> memref<1x80xi32, #tpu.memory_space<vmem>>
          %dma_start3A_186 = tpu.memref_squeeze %dma_start3A_185 : memref<1x80xi32, #tpu.memory_space<vmem>> -> memref<80xi32, #tpu.memory_space<vmem>>
          %dma_start3A_187 = tpu.memref_slice %arg3[%multiple_of3A_178] : memref<320000xi32, #tpu.memory_space<hbm>> -> memref<80xi32, #tpu.memory_space<hbm>>
          tpu.enqueue_dma source(%dma_start3A_187 : memref<80xi32, #tpu.memory_space<hbm>>) target(%dma_start3A_186 : memref<80xi32, #tpu.memory_space<vmem>>) target_semaphore(%arg13 : memref<!tpu.dma_semaphore, #tpu.memory_space<semaphore_mem>>)
        } else {
        }
      } else {
      }
      %add3A_119 = arith.constant 1 : i32
      %add3A_120 = arith.addi %scan3A_112, %add3A_119 : i32
      %lt3A_121 = arith.constant 125 : i32
      %lt3A_122 = arith.cmpi slt, %add3A_120, %lt3A_121 : i32
      %convert_element_type3A_123 = arith.extui %lt3A_122 : i1 to i32
      %cond3A_124 = arith.constant 0 : i32
      %cond3A_125 = arith.cmpi ne, %convert_element_type3A_123, %cond3A_124 : i32
      scf.if %cond3A_125 {
        %add3A_146 = arith.constant 1 : i32
        %add3A_147 = arith.addi %scan3A_112, %add3A_146 : i32
        %rem3A_148 = arith.constant 3 : i32
        %rem3A_149 = arith.remsi %add3A_147, %rem3A_148 : i32
        %eq3A_150 = arith.constant 0 : i32
        %eq3A_151 = arith.cmpi eq, %rem3A_149, %eq3A_150 : i32
        %convert_element_type3A_152 = arith.extui %eq3A_151 : i1 to i32
        %cond3A_153 = arith.constant 0 : i32
        %cond3A_154 = arith.cmpi ne, %convert_element_type3A_152, %cond3A_153 : i32
        scf.if %cond3A_154 {
          %ge3A = arith.constant 2 : i32
          %ge3A_173 = arith.cmpi sge, %scan3A_112, %ge3A : i32
          %convert_element_type3A_174 = arith.extui %ge3A_173 : i1 to i32
          %cond3A_175 = arith.constant 0 : i32
          %cond3A_176 = arith.cmpi ne, %convert_element_type3A_174, %cond3A_175 : i32
          scf.if %cond3A_176 {
            %dma_wait3A_200 = arith.constant 0 : i32
            %dma_wait3A_201 = arith.constant 0 : i32
            %dma_wait3A_202 = arith.constant 0 : i32
            %dma_wait3A_203 = arith.constant 0 : i32
            %dma_wait3A_204 = tpu.memref_slice %arg9[%dma_wait3A_200, %dma_wait3A_202, %dma_wait3A_203] : memref<3x80x128xf32, #tpu.memory_space<vmem>> -> memref<1x80x128xf32, #tpu.memory_space<vmem>>
            %dma_wait3A_205 = tpu.memref_squeeze %dma_wait3A_204 : memref<1x80x128xf32, #tpu.memory_space<vmem>> -> memref<80x128xf32, #tpu.memory_space<vmem>>
            %dma_wait3A_206 = arith.constant 0 : i32
            %dma_wait3A_207 = tpu.memref_slice %arg8[%dma_wait3A_201, %dma_wait3A_206] : memref<125x80xi32, #tpu.memory_space<vmem>> -> memref<1x80xi32, #tpu.memory_space<vmem>>
            %dma_wait3A_208 = tpu.memref_squeeze %dma_wait3A_207 : memref<1x80xi32, #tpu.memory_space<vmem>> -> memref<80xi32, #tpu.memory_space<vmem>>
            %dma_wait3A_209 = arith.constant 0 : i32
            %dma_wait3A_210 = arith.constant 0 : i32
            %dma_wait3A_211 = tpu.memref_slice %arg10[%dma_wait3A_209, %dma_wait3A_210] : memref<10000x128xf32, #tpu.memory_space<vmem_shared>> -> memref<10000x128xf32, #tpu.memory_space<vmem_shared>>
            tpu.wait_indirect_dma semaphore(%arg17 : memref<!tpu.dma_semaphore, #tpu.memory_space<semaphore_mem>>) src(%dma_wait3A_205 : memref<80x128xf32, #tpu.memory_space<vmem>>) dst(%dma_wait3A_211 : memref<10000x128xf32, #tpu.memory_space<vmem_shared>>)
          } else {
          }
          %dma_wait3A_177 = arith.constant 0 : i32
          %dma_wait3A_178 = arith.constant 0 : i32
          %dma_wait3A_179 = tpu.memref_slice %arg7[%dma_wait3A_177, %dma_wait3A_178] : memref<3x80xi32, #tpu.memory_space<vmem>> -> memref<1x80xi32, #tpu.memory_space<vmem>>
          %dma_wait3A_180 = tpu.memref_squeeze %dma_wait3A_179 : memref<1x80xi32, #tpu.memory_space<vmem>> -> memref<80xi32, #tpu.memory_space<vmem>>
          %dma_wait3A_181 = arith.constant 0 : i32
          %dma_wait3A_182 = tpu.memref_slice %arg3[%dma_wait3A_181] : memref<320000xi32, #tpu.memory_space<hbm>> -> memref<80xi32, #tpu.memory_space<hbm>>
          %dma_wait3A_183 = arith.constant 0 : i32
          %dma_wait3A_184 = tpu.memref_slice %arg7[%dma_wait3A_177, %dma_wait3A_183] : memref<3x80xi32, #tpu.memory_space<vmem>> -> memref<1x80xi32, #tpu.memory_space<vmem>>
          %dma_wait3A_185 = tpu.memref_squeeze %dma_wait3A_184 : memref<1x80xi32, #tpu.memory_space<vmem>> -> memref<80xi32, #tpu.memory_space<vmem>>
          %dma_wait3A_186 = arith.constant 0 : i32
          %dma_wait3A_187 = tpu.memref_slice %arg3[%dma_wait3A_186] : memref<320000xi32, #tpu.memory_space<hbm>> -> memref<80xi32, #tpu.memory_space<hbm>>
          tpu.wait_dma2 semaphore(%arg11 : memref<!tpu.dma_semaphore, #tpu.memory_space<semaphore_mem>>) src(%dma_wait3A_187 : memref<80xi32, #tpu.memory_space<hbm>>) dst(%dma_wait3A_185 : memref<80xi32, #tpu.memory_space<vmem>>)
          %dma_start3A_188 = arith.constant 0 : i32
          %dma_start3A_189 = arith.constant 0 : i32
          %dma_start3A_190 = arith.constant 0 : i32
          %dma_start3A_191 = arith.constant 0 : i32
          %dma_start3A_192 = tpu.memref_slice %arg9[%dma_start3A_189, %dma_start3A_190, %dma_start3A_191] : memref<3x80x128xf32, #tpu.memory_space<vmem>> -> memref<1x80x128xf32, #tpu.memory_space<vmem>>
          %dma_start3A_193 = tpu.memref_squeeze %dma_start3A_192 : memref<1x80x128xf32, #tpu.memory_space<vmem>> -> memref<80x128xf32, #tpu.memory_space<vmem>>
          %dma_start3A_194 = arith.constant 0 : i32
          %dma_start3A_195 = tpu.memref_slice %arg7[%dma_start3A_188, %dma_start3A_194] : memref<3x80xi32, #tpu.memory_space<vmem>> -> memref<1x80xi32, #tpu.memory_space<vmem>>
          %dma_start3A_196 = tpu.memref_squeeze %dma_start3A_195 : memref<1x80xi32, #tpu.memory_space<vmem>> -> memref<80xi32, #tpu.memory_space<vmem>>
          %dma_start3A_197 = arith.constant 0 : i32
          %dma_start3A_198 = arith.constant 0 : i32
          %dma_start3A_199 = tpu.memref_slice %arg2[%dma_start3A_197, %dma_start3A_198] : memref<10000x128xf32, #tpu.memory_space<hbm>> -> memref<10000x128xf32, #tpu.memory_space<hbm>>
          tpu.enqueue_indirect_dma source(%dma_start3A_199 : memref<10000x128xf32, #tpu.memory_space<hbm>>) target(%dma_start3A_193 : memref<80x128xf32, #tpu.memory_space<vmem>>) offsets(%dma_start3A_196 : memref<80xi32, #tpu.memory_space<vmem>>) semaphore(%arg14 : memref<!tpu.dma_semaphore, #tpu.memory_space<semaphore_mem>>)
        } else {
        }
        %add3A_155 = arith.constant 1 : i32
        %add3A_156 = arith.addi %scan3A_112, %add3A_155 : i32
        %rem3A_157 = arith.constant 3 : i32
        %rem3A_158 = arith.remsi %add3A_156, %rem3A_157 : i32
        %eq3A_159 = arith.constant 1 : i32
        %eq3A_160 = arith.cmpi eq, %rem3A_158, %eq3A_159 : i32
        %convert_element_type3A_161 = arith.extui %eq3A_160 : i1 to i32
        %cond3A_162 = arith.constant 0 : i32
        %cond3A_163 = arith.cmpi ne, %convert_element_type3A_161, %cond3A_162 : i32
        scf.if %cond3A_163 {
          %ge3A = arith.constant 2 : i32
          %ge3A_173 = arith.cmpi sge, %scan3A_112, %ge3A : i32
          %convert_element_type3A_174 = arith.extui %ge3A_173 : i1 to i32
          %cond3A_175 = arith.constant 0 : i32
          %cond3A_176 = arith.cmpi ne, %convert_element_type3A_174, %cond3A_175 : i32
          scf.if %cond3A_176 {
            %dma_wait3A_200 = arith.constant 1 : i32
            %dma_wait3A_201 = arith.constant 0 : i32
            %dma_wait3A_202 = arith.constant 0 : i32
            %dma_wait3A_203 = arith.constant 0 : i32
            %dma_wait3A_204 = tpu.memref_slice %arg9[%dma_wait3A_200, %dma_wait3A_202, %dma_wait3A_203] : memref<3x80x128xf32, #tpu.memory_space<vmem>> -> memref<1x80x128xf32, #tpu.memory_space<vmem>>
            %dma_wait3A_205 = tpu.memref_squeeze %dma_wait3A_204 : memref<1x80x128xf32, #tpu.memory_space<vmem>> -> memref<80x128xf32, #tpu.memory_space<vmem>>
            %dma_wait3A_206 = arith.constant 0 : i32
            %dma_wait3A_207 = tpu.memref_slice %arg8[%dma_wait3A_201, %dma_wait3A_206] : memref<125x80xi32, #tpu.memory_space<vmem>> -> memref<1x80xi32, #tpu.memory_space<vmem>>
            %dma_wait3A_208 = tpu.memref_squeeze %dma_wait3A_207 : memref<1x80xi32, #tpu.memory_space<vmem>> -> memref<80xi32, #tpu.memory_space<vmem>>
            %dma_wait3A_209 = arith.constant 0 : i32
            %dma_wait3A_210 = arith.constant 0 : i32
            %dma_wait3A_211 = tpu.memref_slice %arg10[%dma_wait3A_209, %dma_wait3A_210] : memref<10000x128xf32, #tpu.memory_space<vmem_shared>> -> memref<10000x128xf32, #tpu.memory_space<vmem_shared>>
            tpu.wait_indirect_dma semaphore(%arg18 : memref<!tpu.dma_semaphore, #tpu.memory_space<semaphore_mem>>) src(%dma_wait3A_205 : memref<80x128xf32, #tpu.memory_space<vmem>>) dst(%dma_wait3A_211 : memref<10000x128xf32, #tpu.memory_space<vmem_shared>>)
          } else {
          }
          %dma_wait3A_177 = arith.constant 1 : i32
          %dma_wait3A_178 = arith.constant 0 : i32
          %dma_wait3A_179 = tpu.memref_slice %arg7[%dma_wait3A_177, %dma_wait3A_178] : memref<3x80xi32, #tpu.memory_space<vmem>> -> memref<1x80xi32, #tpu.memory_space<vmem>>
          %dma_wait3A_180 = tpu.memref_squeeze %dma_wait3A_179 : memref<1x80xi32, #tpu.memory_space<vmem>> -> memref<80xi32, #tpu.memory_space<vmem>>
          %dma_wait3A_181 = arith.constant 0 : i32
          %dma_wait3A_182 = tpu.memref_slice %arg3[%dma_wait3A_181] : memref<320000xi32, #tpu.memory_space<hbm>> -> memref<80xi32, #tpu.memory_space<hbm>>
          %dma_wait3A_183 = arith.constant 0 : i32
          %dma_wait3A_184 = tpu.memref_slice %arg7[%dma_wait3A_177, %dma_wait3A_183] : memref<3x80xi32, #tpu.memory_space<vmem>> -> memref<1x80xi32, #tpu.memory_space<vmem>>
          %dma_wait3A_185 = tpu.memref_squeeze %dma_wait3A_184 : memref<1x80xi32, #tpu.memory_space<vmem>> -> memref<80xi32, #tpu.memory_space<vmem>>
          %dma_wait3A_186 = arith.constant 0 : i32
          %dma_wait3A_187 = tpu.memref_slice %arg3[%dma_wait3A_186] : memref<320000xi32, #tpu.memory_space<hbm>> -> memref<80xi32, #tpu.memory_space<hbm>>
          tpu.wait_dma2 semaphore(%arg12 : memref<!tpu.dma_semaphore, #tpu.memory_space<semaphore_mem>>) src(%dma_wait3A_187 : memref<80xi32, #tpu.memory_space<hbm>>) dst(%dma_wait3A_185 : memref<80xi32, #tpu.memory_space<vmem>>)
          %dma_start3A_188 = arith.constant 1 : i32
          %dma_start3A_189 = arith.constant 1 : i32
          %dma_start3A_190 = arith.constant 0 : i32
          %dma_start3A_191 = arith.constant 0 : i32
          %dma_start3A_192 = tpu.memref_slice %arg9[%dma_start3A_189, %dma_start3A_190, %dma_start3A_191] : memref<3x80x128xf32, #tpu.memory_space<vmem>> -> memref<1x80x128xf32, #tpu.memory_space<vmem>>
          %dma_start3A_193 = tpu.memref_squeeze %dma_start3A_192 : memref<1x80x128xf32, #tpu.memory_space<vmem>> -> memref<80x128xf32, #tpu.memory_space<vmem>>
          %dma_start3A_194 = arith.constant 0 : i32
          %dma_start3A_195 = tpu.memref_slice %arg7[%dma_start3A_188, %dma_start3A_194] : memref<3x80xi32, #tpu.memory_space<vmem>> -> memref<1x80xi32, #tpu.memory_space<vmem>>
          %dma_start3A_196 = tpu.memref_squeeze %dma_start3A_195 : memref<1x80xi32, #tpu.memory_space<vmem>> -> memref<80xi32, #tpu.memory_space<vmem>>
          %dma_start3A_197 = arith.constant 0 : i32
          %dma_start3A_198 = arith.constant 0 : i32
          %dma_start3A_199 = tpu.memref_slice %arg2[%dma_start3A_197, %dma_start3A_198] : memref<10000x128xf32, #tpu.memory_space<hbm>> -> memref<10000x128xf32, #tpu.memory_space<hbm>>
          tpu.enqueue_indirect_dma source(%dma_start3A_199 : memref<10000x128xf32, #tpu.memory_space<hbm>>) target(%dma_start3A_193 : memref<80x128xf32, #tpu.memory_space<vmem>>) offsets(%dma_start3A_196 : memref<80xi32, #tpu.memory_space<vmem>>) semaphore(%arg15 : memref<!tpu.dma_semaphore, #tpu.memory_space<semaphore_mem>>)
        } else {
        }
        %add3A_164 = arith.constant 1 : i32
        %add3A_165 = arith.addi %scan3A_112, %add3A_164 : i32
        %rem3A_166 = arith.constant 3 : i32
        %rem3A_167 = arith.remsi %add3A_165, %rem3A_166 : i32
        %eq3A_168 = arith.constant 2 : i32
        %eq3A_169 = arith.cmpi eq, %rem3A_167, %eq3A_168 : i32
        %convert_element_type3A_170 = arith.extui %eq3A_169 : i1 to i32
        %cond3A_171 = arith.constant 0 : i32
        %cond3A_172 = arith.cmpi ne, %convert_element_type3A_170, %cond3A_171 : i32
        scf.if %cond3A_172 {
          %ge3A = arith.constant 2 : i32
          %ge3A_173 = arith.cmpi sge, %scan3A_112, %ge3A : i32
          %convert_element_type3A_174 = arith.extui %ge3A_173 : i1 to i32
          %cond3A_175 = arith.constant 0 : i32
          %cond3A_176 = arith.cmpi ne, %convert_element_type3A_174, %cond3A_175 : i32
          scf.if %cond3A_176 {
            %dma_wait3A_200 = arith.constant 2 : i32
            %dma_wait3A_201 = arith.constant 0 : i32
            %dma_wait3A_202 = arith.constant 0 : i32
            %dma_wait3A_203 = arith.constant 0 : i32
            %dma_wait3A_204 = tpu.memref_slice %arg9[%dma_wait3A_200, %dma_wait3A_202, %dma_wait3A_203] : memref<3x80x128xf32, #tpu.memory_space<vmem>> -> memref<1x80x128xf32, #tpu.memory_space<vmem>>
            %dma_wait3A_205 = tpu.memref_squeeze %dma_wait3A_204 : memref<1x80x128xf32, #tpu.memory_space<vmem>> -> memref<80x128xf32, #tpu.memory_space<vmem>>
            %dma_wait3A_206 = arith.constant 0 : i32
            %dma_wait3A_207 = tpu.memref_slice %arg8[%dma_wait3A_201, %dma_wait3A_206] : memref<125x80xi32, #tpu.memory_space<vmem>> -> memref<1x80xi32, #tpu.memory_space<vmem>>
            %dma_wait3A_208 = tpu.memref_squeeze %dma_wait3A_207 : memref<1x80xi32, #tpu.memory_space<vmem>> -> memref<80xi32, #tpu.memory_space<vmem>>
            %dma_wait3A_209 = arith.constant 0 : i32
            %dma_wait3A_210 = arith.constant 0 : i32
            %dma_wait3A_211 = tpu.memref_slice %arg10[%dma_wait3A_209, %dma_wait3A_210] : memref<10000x128xf32, #tpu.memory_space<vmem_shared>> -> memref<10000x128xf32, #tpu.memory_space<vmem_shared>>
            tpu.wait_indirect_dma semaphore(%arg19 : memref<!tpu.dma_semaphore, #tpu.memory_space<semaphore_mem>>) src(%dma_wait3A_205 : memref<80x128xf32, #tpu.memory_space<vmem>>) dst(%dma_wait3A_211 : memref<10000x128xf32, #tpu.memory_space<vmem_shared>>)
          } else {
          }
          %dma_wait3A_177 = arith.constant 2 : i32
          %dma_wait3A_178 = arith.constant 0 : i32
          %dma_wait3A_179 = tpu.memref_slice %arg7[%dma_wait3A_177, %dma_wait3A_178] : memref<3x80xi32, #tpu.memory_space<vmem>> -> memref<1x80xi32, #tpu.memory_space<vmem>>
          %dma_wait3A_180 = tpu.memref_squeeze %dma_wait3A_179 : memref<1x80xi32, #tpu.memory_space<vmem>> -> memref<80xi32, #tpu.memory_space<vmem>>
          %dma_wait3A_181 = arith.constant 0 : i32
          %dma_wait3A_182 = tpu.memref_slice %arg3[%dma_wait3A_181] : memref<320000xi32, #tpu.memory_space<hbm>> -> memref<80xi32, #tpu.memory_space<hbm>>
          %dma_wait3A_183 = arith.constant 0 : i32
          %dma_wait3A_184 = tpu.memref_slice %arg7[%dma_wait3A_177, %dma_wait3A_183] : memref<3x80xi32, #tpu.memory_space<vmem>> -> memref<1x80xi32, #tpu.memory_space<vmem>>
          %dma_wait3A_185 = tpu.memref_squeeze %dma_wait3A_184 : memref<1x80xi32, #tpu.memory_space<vmem>> -> memref<80xi32, #tpu.memory_space<vmem>>
          %dma_wait3A_186 = arith.constant 0 : i32
          %dma_wait3A_187 = tpu.memref_slice %arg3[%dma_wait3A_186] : memref<320000xi32, #tpu.memory_space<hbm>> -> memref<80xi32, #tpu.memory_space<hbm>>
          tpu.wait_dma2 semaphore(%arg13 : memref<!tpu.dma_semaphore, #tpu.memory_space<semaphore_mem>>) src(%dma_wait3A_187 : memref<80xi32, #tpu.memory_space<hbm>>) dst(%dma_wait3A_185 : memref<80xi32, #tpu.memory_space<vmem>>)
          %dma_start3A_188 = arith.constant 2 : i32
          %dma_start3A_189 = arith.constant 2 : i32
          %dma_start3A_190 = arith.constant 0 : i32
          %dma_start3A_191 = arith.constant 0 : i32
          %dma_start3A_192 = tpu.memref_slice %arg9[%dma_start3A_189, %dma_start3A_190, %dma_start3A_191] : memref<3x80x128xf32, #tpu.memory_space<vmem>> -> memref<1x80x128xf32, #tpu.memory_space<vmem>>
          %dma_start3A_193 = tpu.memref_squeeze %dma_start3A_192 : memref<1x80x128xf32, #tpu.memory_space<vmem>> -> memref<80x128xf32, #tpu.memory_space<vmem>>
          %dma_start3A_194 = arith.constant 0 : i32
          %dma_start3A_195 = tpu.memref_slice %arg7[%dma_start3A_188, %dma_start3A_194] : memref<3x80xi32, #tpu.memory_space<vmem>> -> memref<1x80xi32, #tpu.memory_space<vmem>>
          %dma_start3A_196 = tpu.memref_squeeze %dma_start3A_195 : memref<1x80xi32, #tpu.memory_space<vmem>> -> memref<80xi32, #tpu.memory_space<vmem>>
          %dma_start3A_197 = arith.constant 0 : i32
          %dma_start3A_198 = arith.constant 0 : i32
          %dma_start3A_199 = tpu.memref_slice %arg2[%dma_start3A_197, %dma_start3A_198] : memref<10000x128xf32, #tpu.memory_space<hbm>> -> memref<10000x128xf32, #tpu.memory_space<hbm>>
          tpu.enqueue_indirect_dma source(%dma_start3A_199 : memref<10000x128xf32, #tpu.memory_space<hbm>>) target(%dma_start3A_193 : memref<80x128xf32, #tpu.memory_space<vmem>>) offsets(%dma_start3A_196 : memref<80xi32, #tpu.memory_space<vmem>>) semaphore(%arg16 : memref<!tpu.dma_semaphore, #tpu.memory_space<semaphore_mem>>)
        } else {
        }
      } else {
      }
      %rem3A = arith.constant 3 : i32
      %rem3A_126 = arith.remsi %scan3A_112, %rem3A : i32
      %eq3A_127 = arith.constant 0 : i32
      %eq3A_128 = arith.cmpi eq, %rem3A_126, %eq3A_127 : i32
      %convert_element_type3A_129 = arith.extui %eq3A_128 : i1 to i32
      %cond3A_130 = arith.constant 0 : i32
      %cond3A_131 = arith.cmpi ne, %convert_element_type3A_129, %cond3A_130 : i32
      scf.if %cond3A_131 {
        %dma_wait3A_146 = arith.constant 0 : i32
        %dma_wait3A_147 = arith.constant 0 : i32
        %dma_wait3A_148 = arith.constant 0 : i32
        %dma_wait3A_149 = arith.constant 0 : i32
        %dma_wait3A_150 = tpu.memref_slice %arg9[%dma_wait3A_147, %dma_wait3A_148, %dma_wait3A_149] : memref<3x80x128xf32, #tpu.memory_space<vmem>> -> memref<1x80x128xf32, #tpu.memory_space<vmem>>
        %dma_wait3A_151 = tpu.memref_squeeze %dma_wait3A_150 : memref<1x80x128xf32, #tpu.memory_space<vmem>> -> memref<80x128xf32, #tpu.memory_space<vmem>>
        %dma_wait3A_152 = arith.constant 0 : i32
        %dma_wait3A_153 = tpu.memref_slice %arg7[%dma_wait3A_146, %dma_wait3A_152] : memref<3x80xi32, #tpu.memory_space<vmem>> -> memref<1x80xi32, #tpu.memory_space<vmem>>
        %dma_wait3A_154 = tpu.memref_squeeze %dma_wait3A_153 : memref<1x80xi32, #tpu.memory_space<vmem>> -> memref<80xi32, #tpu.memory_space<vmem>>
        %dma_wait3A_155 = arith.constant 0 : i32
        %dma_wait3A_156 = arith.constant 0 : i32
        %dma_wait3A_157 = tpu.memref_slice %arg2[%dma_wait3A_155, %dma_wait3A_156] : memref<10000x128xf32, #tpu.memory_space<hbm>> -> memref<10000x128xf32, #tpu.memory_space<hbm>>
        tpu.wait_indirect_dma semaphore(%arg14 : memref<!tpu.dma_semaphore, #tpu.memory_space<semaphore_mem>>) src(%dma_wait3A_157 : memref<10000x128xf32, #tpu.memory_space<hbm>>) dst(%dma_wait3A_151 : memref<80x128xf32, #tpu.memory_space<vmem>>)
        %dma_start3A_158 = arith.constant 0 : i32
        %dma_start3A_159 = arith.constant 0 : i32
        %dma_start3A_160 = arith.constant 0 : i32
        %dma_start3A_161 = tpu.memref_slice %arg9[%dma_start3A_158, %dma_start3A_159, %dma_start3A_160] : memref<3x80x128xf32, #tpu.memory_space<vmem>> -> memref<1x80x128xf32, #tpu.memory_space<vmem>>
        %dma_start3A_162 = tpu.memref_squeeze %dma_start3A_161 : memref<1x80x128xf32, #tpu.memory_space<vmem>> -> memref<80x128xf32, #tpu.memory_space<vmem>>
        %dma_start3A_163 = arith.constant 0 : i32
        %dma_start3A_164 = tpu.memref_slice %arg8[%scan3A_112, %dma_start3A_163] : memref<125x80xi32, #tpu.memory_space<vmem>> -> memref<1x80xi32, #tpu.memory_space<vmem>>
        %dma_start3A_165 = tpu.memref_squeeze %dma_start3A_164 : memref<1x80xi32, #tpu.memory_space<vmem>> -> memref<80xi32, #tpu.memory_space<vmem>>
        %dma_start3A_166 = arith.constant 0 : i32
        %dma_start3A_167 = arith.constant 0 : i32
        %dma_start3A_168 = tpu.memref_slice %arg10[%dma_start3A_166, %dma_start3A_167] : memref<10000x128xf32, #tpu.memory_space<vmem_shared>> -> memref<10000x128xf32, #tpu.memory_space<vmem_shared>>
        tpu.enqueue_indirect_dma source(%dma_start3A_162 : memref<80x128xf32, #tpu.memory_space<vmem>>) target(%dma_start3A_168 : memref<10000x128xf32, #tpu.memory_space<vmem_shared>>) offsets(%dma_start3A_165 : memref<80xi32, #tpu.memory_space<vmem>>) semaphore(%arg17 : memref<!tpu.dma_semaphore, #tpu.memory_space<semaphore_mem>>) {add = true}
      } else {
      }
      %rem3A_132 = arith.constant 3 : i32
      %rem3A_133 = arith.remsi %scan3A_112, %rem3A_132 : i32
      %eq3A_134 = arith.constant 1 : i32
      %eq3A_135 = arith.cmpi eq, %rem3A_133, %eq3A_134 : i32
      %convert_element_type3A_136 = arith.extui %eq3A_135 : i1 to i32
      %cond3A_137 = arith.constant 0 : i32
      %cond3A_138 = arith.cmpi ne, %convert_element_type3A_136, %cond3A_137 : i32
      scf.if %cond3A_138 {
        %dma_wait3A_146 = arith.constant 1 : i32
        %dma_wait3A_147 = arith.constant 1 : i32
        %dma_wait3A_148 = arith.constant 0 : i32
        %dma_wait3A_149 = arith.constant 0 : i32
        %dma_wait3A_150 = tpu.memref_slice %arg9[%dma_wait3A_147, %dma_wait3A_148, %dma_wait3A_149] : memref<3x80x128xf32, #tpu.memory_space<vmem>> -> memref<1x80x128xf32, #tpu.memory_space<vmem>>
        %dma_wait3A_151 = tpu.memref_squeeze %dma_wait3A_150 : memref<1x80x128xf32, #tpu.memory_space<vmem>> -> memref<80x128xf32, #tpu.memory_space<vmem>>
        %dma_wait3A_152 = arith.constant 0 : i32
        %dma_wait3A_153 = tpu.memref_slice %arg7[%dma_wait3A_146, %dma_wait3A_152] : memref<3x80xi32, #tpu.memory_space<vmem>> -> memref<1x80xi32, #tpu.memory_space<vmem>>
        %dma_wait3A_154 = tpu.memref_squeeze %dma_wait3A_153 : memref<1x80xi32, #tpu.memory_space<vmem>> -> memref<80xi32, #tpu.memory_space<vmem>>
        %dma_wait3A_155 = arith.constant 0 : i32
        %dma_wait3A_156 = arith.constant 0 : i32
        %dma_wait3A_157 = tpu.memref_slice %arg2[%dma_wait3A_155, %dma_wait3A_156] : memref<10000x128xf32, #tpu.memory_space<hbm>> -> memref<10000x128xf32, #tpu.memory_space<hbm>>
        tpu.wait_indirect_dma semaphore(%arg15 : memref<!tpu.dma_semaphore, #tpu.memory_space<semaphore_mem>>) src(%dma_wait3A_157 : memref<10000x128xf32, #tpu.memory_space<hbm>>) dst(%dma_wait3A_151 : memref<80x128xf32, #tpu.memory_space<vmem>>)
        %dma_start3A_158 = arith.constant 1 : i32
        %dma_start3A_159 = arith.constant 0 : i32
        %dma_start3A_160 = arith.constant 0 : i32
        %dma_start3A_161 = tpu.memref_slice %arg9[%dma_start3A_158, %dma_start3A_159, %dma_start3A_160] : memref<3x80x128xf32, #tpu.memory_space<vmem>> -> memref<1x80x128xf32, #tpu.memory_space<vmem>>
        %dma_start3A_162 = tpu.memref_squeeze %dma_start3A_161 : memref<1x80x128xf32, #tpu.memory_space<vmem>> -> memref<80x128xf32, #tpu.memory_space<vmem>>
        %dma_start3A_163 = arith.constant 0 : i32
        %dma_start3A_164 = tpu.memref_slice %arg8[%scan3A_112, %dma_start3A_163] : memref<125x80xi32, #tpu.memory_space<vmem>> -> memref<1x80xi32, #tpu.memory_space<vmem>>
        %dma_start3A_165 = tpu.memref_squeeze %dma_start3A_164 : memref<1x80xi32, #tpu.memory_space<vmem>> -> memref<80xi32, #tpu.memory_space<vmem>>
        %dma_start3A_166 = arith.constant 0 : i32
        %dma_start3A_167 = arith.constant 0 : i32
        %dma_start3A_168 = tpu.memref_slice %arg10[%dma_start3A_166, %dma_start3A_167] : memref<10000x128xf32, #tpu.memory_space<vmem_shared>> -> memref<10000x128xf32, #tpu.memory_space<vmem_shared>>
        tpu.enqueue_indirect_dma source(%dma_start3A_162 : memref<80x128xf32, #tpu.memory_space<vmem>>) target(%dma_start3A_168 : memref<10000x128xf32, #tpu.memory_space<vmem_shared>>) offsets(%dma_start3A_165 : memref<80xi32, #tpu.memory_space<vmem>>) semaphore(%arg18 : memref<!tpu.dma_semaphore, #tpu.memory_space<semaphore_mem>>) {add = true}
      } else {
      }
      %rem3A_139 = arith.constant 3 : i32
      %rem3A_140 = arith.remsi %scan3A_112, %rem3A_139 : i32
      %eq3A_141 = arith.constant 2 : i32
      %eq3A_142 = arith.cmpi eq, %rem3A_140, %eq3A_141 : i32
      %convert_element_type3A_143 = arith.extui %eq3A_142 : i1 to i32
      %cond3A_144 = arith.constant 0 : i32
      %cond3A_145 = arith.cmpi ne, %convert_element_type3A_143, %cond3A_144 : i32
      scf.if %cond3A_145 {
        %dma_wait3A_146 = arith.constant 2 : i32
        %dma_wait3A_147 = arith.constant 2 : i32
        %dma_wait3A_148 = arith.constant 0 : i32
        %dma_wait3A_149 = arith.constant 0 : i32
        %dma_wait3A_150 = tpu.memref_slice %arg9[%dma_wait3A_147, %dma_wait3A_148, %dma_wait3A_149] : memref<3x80x128xf32, #tpu.memory_space<vmem>> -> memref<1x80x128xf32, #tpu.memory_space<vmem>>
        %dma_wait3A_151 = tpu.memref_squeeze %dma_wait3A_150 : memref<1x80x128xf32, #tpu.memory_space<vmem>> -> memref<80x128xf32, #tpu.memory_space<vmem>>
        %dma_wait3A_152 = arith.constant 0 : i32
        %dma_wait3A_153 = tpu.memref_slice %arg7[%dma_wait3A_146, %dma_wait3A_152] : memref<3x80xi32, #tpu.memory_space<vmem>> -> memref<1x80xi32, #tpu.memory_space<vmem>>
        %dma_wait3A_154 = tpu.memref_squeeze %dma_wait3A_153 : memref<1x80xi32, #tpu.memory_space<vmem>> -> memref<80xi32, #tpu.memory_space<vmem>>
        %dma_wait3A_155 = arith.constant 0 : i32
        %dma_wait3A_156 = arith.constant 0 : i32
        %dma_wait3A_157 = tpu.memref_slice %arg2[%dma_wait3A_155, %dma_wait3A_156] : memref<10000x128xf32, #tpu.memory_space<hbm>> -> memref<10000x128xf32, #tpu.memory_space<hbm>>
        tpu.wait_indirect_dma semaphore(%arg16 : memref<!tpu.dma_semaphore, #tpu.memory_space<semaphore_mem>>) src(%dma_wait3A_157 : memref<10000x128xf32, #tpu.memory_space<hbm>>) dst(%dma_wait3A_151 : memref<80x128xf32, #tpu.memory_space<vmem>>)
        %dma_start3A_158 = arith.constant 2 : i32
        %dma_start3A_159 = arith.constant 0 : i32
        %dma_start3A_160 = arith.constant 0 : i32
        %dma_start3A_161 = tpu.memref_slice %arg9[%dma_start3A_158, %dma_start3A_159, %dma_start3A_160] : memref<3x80x128xf32, #tpu.memory_space<vmem>> -> memref<1x80x128xf32, #tpu.memory_space<vmem>>
        %dma_start3A_162 = tpu.memref_squeeze %dma_start3A_161 : memref<1x80x128xf32, #tpu.memory_space<vmem>> -> memref<80x128xf32, #tpu.memory_space<vmem>>
        %dma_start3A_163 = arith.constant 0 : i32
        %dma_start3A_164 = tpu.memref_slice %arg8[%scan3A_112, %dma_start3A_163] : memref<125x80xi32, #tpu.memory_space<vmem>> -> memref<1x80xi32, #tpu.memory_space<vmem>>
        %dma_start3A_165 = tpu.memref_squeeze %dma_start3A_164 : memref<1x80xi32, #tpu.memory_space<vmem>> -> memref<80xi32, #tpu.memory_space<vmem>>
        %dma_start3A_166 = arith.constant 0 : i32
        %dma_start3A_167 = arith.constant 0 : i32
        %dma_start3A_168 = tpu.memref_slice %arg10[%dma_start3A_166, %dma_start3A_167] : memref<10000x128xf32, #tpu.memory_space<vmem_shared>> -> memref<10000x128xf32, #tpu.memory_space<vmem_shared>>
        tpu.enqueue_indirect_dma source(%dma_start3A_162 : memref<80x128xf32, #tpu.memory_space<vmem>>) target(%dma_start3A_168 : memref<10000x128xf32, #tpu.memory_space<vmem_shared>>) offsets(%dma_start3A_165 : memref<80xi32, #tpu.memory_space<vmem>>) semaphore(%arg19 : memref<!tpu.dma_semaphore, #tpu.memory_space<semaphore_mem>>) {add = true}
      } else {
      }
    }
    %scan3A_73 = arith.constant 125 : i32
    %dma_wait3A_74 = arith.constant 0 : i32
    %dma_wait3A_75 = arith.constant 0 : i32
    %dma_wait3A_76 = arith.constant 0 : i32
    %dma_wait3A_77 = arith.constant 0 : i32
    %dma_wait3A_78 = tpu.memref_slice %arg9[%dma_wait3A_74, %dma_wait3A_76, %dma_wait3A_77] : memref<3x80x128xf32, #tpu.memory_space<vmem>> -> memref<1x80x128xf32, #tpu.memory_space<vmem>>
    %dma_wait3A_79 = tpu.memref_squeeze %dma_wait3A_78 : memref<1x80x128xf32, #tpu.memory_space<vmem>> -> memref<80x128xf32, #tpu.memory_space<vmem>>
    %dma_wait3A_80 = arith.constant 0 : i32
    %dma_wait3A_81 = tpu.memref_slice %arg8[%dma_wait3A_75, %dma_wait3A_80] : memref<125x80xi32, #tpu.memory_space<vmem>> -> memref<1x80xi32, #tpu.memory_space<vmem>>
    %dma_wait3A_82 = tpu.memref_squeeze %dma_wait3A_81 : memref<1x80xi32, #tpu.memory_space<vmem>> -> memref<80xi32, #tpu.memory_space<vmem>>
    %dma_wait3A_83 = arith.constant 0 : i32
    %dma_wait3A_84 = arith.constant 0 : i32
    %dma_wait3A_85 = tpu.memref_slice %arg10[%dma_wait3A_83, %dma_wait3A_84] : memref<10000x128xf32, #tpu.memory_space<vmem_shared>> -> memref<10000x128xf32, #tpu.memory_space<vmem_shared>>
    tpu.wait_indirect_dma semaphore(%arg17 : memref<!tpu.dma_semaphore, #tpu.memory_space<semaphore_mem>>) src(%dma_wait3A_79 : memref<80x128xf32, #tpu.memory_space<vmem>>) dst(%dma_wait3A_85 : memref<10000x128xf32, #tpu.memory_space<vmem_shared>>)
    %dma_wait3A_86 = arith.constant 1 : i32
    %dma_wait3A_87 = arith.constant 0 : i32
    %dma_wait3A_88 = arith.constant 0 : i32
    %dma_wait3A_89 = arith.constant 0 : i32
    %dma_wait3A_90 = tpu.memref_slice %arg9[%dma_wait3A_86, %dma_wait3A_88, %dma_wait3A_89] : memref<3x80x128xf32, #tpu.memory_space<vmem>> -> memref<1x80x128xf32, #tpu.memory_space<vmem>>
    %dma_wait3A_91 = tpu.memref_squeeze %dma_wait3A_90 : memref<1x80x128xf32, #tpu.memory_space<vmem>> -> memref<80x128xf32, #tpu.memory_space<vmem>>
    %dma_wait3A_92 = arith.constant 0 : i32
    %dma_wait3A_93 = tpu.memref_slice %arg8[%dma_wait3A_87, %dma_wait3A_92] : memref<125x80xi32, #tpu.memory_space<vmem>> -> memref<1x80xi32, #tpu.memory_space<vmem>>
    %dma_wait3A_94 = tpu.memref_squeeze %dma_wait3A_93 : memref<1x80xi32, #tpu.memory_space<vmem>> -> memref<80xi32, #tpu.memory_space<vmem>>
    %dma_wait3A_95 = arith.constant 0 : i32
    %dma_wait3A_96 = arith.constant 0 : i32
    %dma_wait3A_97 = tpu.memref_slice %arg10[%dma_wait3A_95, %dma_wait3A_96] : memref<10000x128xf32, #tpu.memory_space<vmem_shared>> -> memref<10000x128xf32, #tpu.memory_space<vmem_shared>>
    tpu.wait_indirect_dma semaphore(%arg18 : memref<!tpu.dma_semaphore, #tpu.memory_space<semaphore_mem>>) src(%dma_wait3A_91 : memref<80x128xf32, #tpu.memory_space<vmem>>) dst(%dma_wait3A_97 : memref<10000x128xf32, #tpu.memory_space<vmem_shared>>)
    %barrier3A_98 = arith.constant 0 : index
    tpu.barrier barrier_id(%barrier3A_98)
    %mul3A_99 = arith.constant 10000 : i32
    %mul3A_100 = arith.muli %arg0, %mul3A_99 : i32
    %mul3A_101 = arith.constant 624 : i32
    %mul3A_102 = arith.muli %arg1, %mul3A_101 : i32
    %add3A_103 = arith.addi %mul3A_100, %mul3A_102 : i32
    %multiple_of3A_104 = tpu.assume_multiple %add3A_103, 8 : i32
    %mul3A_105 = arith.constant 624 : i32
    %mul3A_106 = arith.muli %arg1, %mul3A_105 : i32
    "tpu.region"() ({
      %run_scoped3A = tpu.sem_alloc : memref<!tpu.dma_semaphore, #tpu.memory_space<semaphore_mem>>
      %dma_start3A_112 = arith.constant 0 : i32
      %dma_start3A_113 = tpu.memref_slice %arg6[%multiple_of3A_104, %dma_start3A_112] : memref<20000x128xf32, #tpu.memory_space<hbm>> -> memref<624x128xf32, #tpu.memory_space<hbm>>
      %dma_start3A_114 = arith.constant 0 : i32
      %dma_start3A_115 = tpu.memref_slice %arg10[%mul3A_106, %dma_start3A_114] : memref<10000x128xf32, #tpu.memory_space<vmem_shared>> -> memref<624x128xf32, #tpu.memory_space<vmem_shared>>
      tpu.enqueue_dma source(%dma_start3A_115 : memref<624x128xf32, #tpu.memory_space<vmem_shared>>) target(%dma_start3A_113 : memref<624x128xf32, #tpu.memory_space<hbm>>) target_semaphore(%run_scoped3A : memref<!tpu.dma_semaphore, #tpu.memory_space<semaphore_mem>>)
      %dma_wait3A_116 = arith.constant 0 : i32
      %dma_wait3A_117 = tpu.memref_slice %arg6[%multiple_of3A_104, %dma_wait3A_116] : memref<20000x128xf32, #tpu.memory_space<hbm>> -> memref<624x128xf32, #tpu.memory_space<hbm>>
      %dma_wait3A_118 = arith.constant 0 : i32
      %dma_wait3A_119 = tpu.memref_slice %arg10[%mul3A_106, %dma_wait3A_118] : memref<10000x128xf32, #tpu.memory_space<vmem_shared>> -> memref<624x128xf32, #tpu.memory_space<vmem_shared>>
      tpu.wait_dma2 semaphore(%run_scoped3A : memref<!tpu.dma_semaphore, #tpu.memory_space<semaphore_mem>>) src(%dma_wait3A_119 : memref<624x128xf32, #tpu.memory_space<vmem_shared>>) dst(%dma_wait3A_117 : memref<624x128xf32, #tpu.memory_space<hbm>>)
      tpu.yield
    }) : () -> ()
    %eq3A_107 = arith.constant 0 : i32
    %eq3A_108 = arith.cmpi eq, %arg1, %eq3A_107 : i32
    %convert_element_type3A_109 = arith.extui %eq3A_108 : i1 to i32
    %cond3A_110 = arith.constant 0 : i32
    %cond3A_111 = arith.cmpi ne, %convert_element_type3A_109, %cond3A_110 : i32
    scf.if %cond3A_111 {
      %mul3A_112 = arith.constant 10000 : i32
      %mul3A_113 = arith.muli %arg0, %mul3A_112 : i32
      %add3A_114 = arith.constant 9984 : i32
      %add3A_115 = arith.addi %mul3A_113, %add3A_114 : i32
      %multiple_of3A_116 = tpu.assume_multiple %add3A_115, 8 : i32
      "tpu.region"() ({
        %run_scoped3A = tpu.sem_alloc : memref<!tpu.dma_semaphore, #tpu.memory_space<semaphore_mem>>
        %dma_start3A_117 = arith.constant 0 : i32
        %dma_start3A_118 = tpu.memref_slice %arg6[%multiple_of3A_116, %dma_start3A_117] : memref<20000x128xf32, #tpu.memory_space<hbm>> -> memref<16x128xf32, #tpu.memory_space<hbm>>
        %dma_start3A_119 = arith.constant 9984 : i32
        %dma_start3A_120 = arith.constant 0 : i32
        %dma_start3A_121 = tpu.memref_slice %arg10[%dma_start3A_119, %dma_start3A_120] : memref<10000x128xf32, #tpu.memory_space<vmem_shared>> -> memref<16x128xf32, #tpu.memory_space<vmem_shared>>
        tpu.enqueue_dma source(%dma_start3A_121 : memref<16x128xf32, #tpu.memory_space<vmem_shared>>) target(%dma_start3A_118 : memref<16x128xf32, #tpu.memory_space<hbm>>) target_semaphore(%run_scoped3A : memref<!tpu.dma_semaphore, #tpu.memory_space<semaphore_mem>>)
        %dma_wait3A_122 = arith.constant 0 : i32
        %dma_wait3A_123 = tpu.memref_slice %arg6[%multiple_of3A_116, %dma_wait3A_122] : memref<20000x128xf32, #tpu.memory_space<hbm>> -> memref<16x128xf32, #tpu.memory_space<hbm>>
        %dma_wait3A_124 = arith.constant 9984 : i32
        %dma_wait3A_125 = arith.constant 0 : i32
        %dma_wait3A_126 = tpu.memref_slice %arg10[%dma_wait3A_124, %dma_wait3A_125] : memref<10000x128xf32, #tpu.memory_space<vmem_shared>> -> memref<16x128xf32, #tpu.memory_space<vmem_shared>>
        tpu.wait_dma2 semaphore(%run_scoped3A : memref<!tpu.dma_semaphore, #tpu.memory_space<semaphore_mem>>) src(%dma_wait3A_126 : memref<16x128xf32, #tpu.memory_space<vmem_shared>>) dst(%dma_wait3A_123 : memref<16x128xf32, #tpu.memory_space<hbm>>)
        tpu.yield
      }) : () -> ()
    } else {
    }
    return
  }
}

module attributes {stable_mosaic.version = 14 : i64} {
  func.func @_dense_relu_body(%arg0: i32, %arg1: memref<20000x128xf32, #tpu.memory_space<vmem>>, %arg2: memref<10000x128xf32, #tpu.memory_space<vmem>>, %arg3: memref<128x128xf32, #tpu.memory_space<vmem>>, %arg4: memref<128x128xf32, #tpu.memory_space<vmem>>, %arg5: memref<1x128xf32, #tpu.memory_space<vmem>>, %arg6: memref<10000x128xf32, #tpu.memory_space<vmem>>) attributes {dimension_semantics = [#tpu.dimension_semantics<arbitrary>], iteration_bounds = array<i64: 1>, scalar_prefetch = 0 : i64, scratch_operands = 0 : i64, tpu.core_type = #tpu.core_type<tc>, window_params = [{pipeline_mode = #tpu.pipeline_mode<synchronous>, transform_indices = @transform_0, window_bounds = array<i64: 20000, 128>}, {transform_indices = @transform_1, window_bounds = array<i64: 10000, 128>}, {pipeline_mode = #tpu.pipeline_mode<synchronous>, transform_indices = @transform_2, window_bounds = array<i64: 128, 128>}, {pipeline_mode = #tpu.pipeline_mode<synchronous>, transform_indices = @transform_3, window_bounds = array<i64: 128, 128>}, {pipeline_mode = #tpu.pipeline_mode<synchronous>, transform_indices = @transform_4, window_bounds = array<i64: 1, 128>}, {transform_indices = @transform_5, window_bounds = array<i64: 10000, 128>}]} {
    %get3A = arith.constant 0 : index
    %get3A_0 = arith.constant 0 : index
    %get3A_1 = vector.load %arg1[%get3A, %get3A_0] : memref<20000x128xf32, #tpu.memory_space<vmem>>, vector<20000x128xf32>
    %slice3A = vector.extract_strided_slice %get3A_1 {offsets = [0, 0], sizes = [10000, 128], strides = [1, 1]} : vector<20000x128xf32> to vector<10000x128xf32>
    %slice3A_2 = vector.extract_strided_slice %get3A_1 {offsets = [10000, 0], sizes = [10000, 128], strides = [1, 1]} : vector<20000x128xf32> to vector<10000x128xf32>
    %add3A = arith.addf %slice3A, %slice3A_2 : vector<10000x128xf32>
    %get3A_3 = arith.constant 0 : index
    %get3A_4 = arith.constant 0 : index
    %get3A_5 = vector.load %arg3[%get3A_3, %get3A_4] : memref<128x128xf32, #tpu.memory_space<vmem>>, vector<128x128xf32>
    %dot_general3A = arith.constant dense<0.000000e+00> : vector<10000x128xf32>
    %dot_general3A_6 = tpu.matmul %add3A, %get3A_5, %dot_general3A {dimension_numbers = #tpu.dot_dimension_numbers<[1], [0], [0], [1], [0, 0, 1, 1], [], []>, transpose_lhs_hint = false} : vector<10000x128xf32>, vector<128x128xf32>, vector<10000x128xf32> -> vector<10000x128xf32>
    %get3A_7 = arith.constant 0 : index
    %get3A_8 = arith.constant 0 : index
    %get3A_9 = vector.load %arg2[%get3A_7, %get3A_8] : memref<10000x128xf32, #tpu.memory_space<vmem>>, vector<10000x128xf32>
    %get3A_10 = arith.constant 0 : index
    %get3A_11 = arith.constant 0 : index
    %get3A_12 = vector.load %arg4[%get3A_10, %get3A_11] : memref<128x128xf32, #tpu.memory_space<vmem>>, vector<128x128xf32>
    %dot_general3A_13 = arith.constant dense<0.000000e+00> : vector<10000x128xf32>
    %dot_general3A_14 = tpu.matmul %get3A_9, %get3A_12, %dot_general3A_13 {dimension_numbers = #tpu.dot_dimension_numbers<[1], [0], [0], [1], [0, 0, 1, 1], [], []>, transpose_lhs_hint = false} : vector<10000x128xf32>, vector<128x128xf32>, vector<10000x128xf32> -> vector<10000x128xf32>
    %add3A_15 = arith.addf %dot_general3A_6, %dot_general3A_14 : vector<10000x128xf32>
    %get3A_16 = arith.constant 0 : index
    %get3A_17 = arith.constant 0 : index
    %get3A_18 = vector.load %arg5[%get3A_16, %get3A_17] : memref<1x128xf32, #tpu.memory_space<vmem>>, vector<1x128xf32>
    %add3A_19 = vector.broadcast %get3A_18 : vector<1x128xf32> to vector<10000x128xf32>
    %add3A_20 = arith.addf %add3A_15, %add3A_19 : vector<10000x128xf32>
    %max3A = arith.constant 0.000000e+00 : f32
    %max3A_21 = vector.broadcast %max3A : f32 to vector<10000x128xf32>
    %max3A_22 = arith.maximumf %add3A_20, %max3A_21 : vector<10000x128xf32>
    %swap3A = arith.constant 0 : index
    %swap3A_23 = arith.constant 0 : index
    %swap3A_24 = vector.load %arg6[%swap3A, %swap3A_23] : memref<10000x128xf32, #tpu.memory_space<vmem>>, vector<10000x128xf32>
    tpu.vector_store %arg6[%swap3A, %swap3A_23], %max3A_22 {strides = array<i32>} : memref<10000x128xf32, #tpu.memory_space<vmem>>, vector<10000x128xf32>,
    return
  }
  func.func @transform_0(%arg0: i32) -> (i32, i32) {
    %c0_i32 = arith.constant 0 : i32
    %c0_i32_0 = arith.constant 0 : i32
    %c0_i32_1 = arith.constant 0 : i32
    return %c0_i32, %c0_i32_0 : i32, i32
  }
  func.func @transform_1(%arg0: i32) -> (i32, i32) {
    %c0_i32 = arith.constant 0 : i32
    %c0_i32_0 = arith.constant 0 : i32
    return %arg0, %c0_i32 : i32, i32
  }
  func.func @transform_2(%arg0: i32) -> (i32, i32) {
    %c0_i32 = arith.constant 0 : i32
    %c0_i32_0 = arith.constant 0 : i32
    %c0_i32_1 = arith.constant 0 : i32
    return %c0_i32, %c0_i32_0 : i32, i32
  }
  func.func @transform_3(%arg0: i32) -> (i32, i32) {
    %c0_i32 = arith.constant 0 : i32
    %c0_i32_0 = arith.constant 0 : i32
    %c0_i32_1 = arith.constant 0 : i32
    return %c0_i32, %c0_i32_0 : i32, i32
  }
  func.func @transform_4(%arg0: i32) -> (i32, i32) {
    %c0_i32 = arith.constant 0 : i32
    %c0_i32_0 = arith.constant 0 : i32
    %c0_i32_1 = arith.constant 0 : i32
    return %c0_i32, %c0_i32_0 : i32, i32
  }
  func.func @transform_5(%arg0: i32) -> (i32, i32) {
    %c0_i32 = arith.constant 0 : i32
    %c0_i32_0 = arith.constant 0 : i32
    return %arg0, %c0_i32 : i32, i32
  }
}

module attributes {stable_mosaic.version = 14 : i64} {
  func.func @_dense_pool_body(%arg0: i32, %arg1: memref<20000x128xf32, #tpu.memory_space<vmem>>, %arg2: memref<10000x128xf32, #tpu.memory_space<vmem>>, %arg3: memref<128x128xf32, #tpu.memory_space<vmem>>, %arg4: memref<128x128xf32, #tpu.memory_space<vmem>>, %arg5: memref<1x128xf32, #tpu.memory_space<vmem>>, %arg6: memref<10000x1xi32, #tpu.memory_space<vmem>>, %arg7: memref<8x128xf32, #tpu.memory_space<vmem>>) attributes {dimension_semantics = [#tpu.dimension_semantics<arbitrary>], iteration_bounds = array<i64: 1>, scalar_prefetch = 0 : i64, scratch_operands = 0 : i64, tpu.core_type = #tpu.core_type<tc>, window_params = [{pipeline_mode = #tpu.pipeline_mode<synchronous>, transform_indices = @transform_0, window_bounds = array<i64: 20000, 128>}, {transform_indices = @transform_1, window_bounds = array<i64: 10000, 128>}, {pipeline_mode = #tpu.pipeline_mode<synchronous>, transform_indices = @transform_2, window_bounds = array<i64: 128, 128>}, {pipeline_mode = #tpu.pipeline_mode<synchronous>, transform_indices = @transform_3, window_bounds = array<i64: 128, 128>}, {pipeline_mode = #tpu.pipeline_mode<synchronous>, transform_indices = @transform_4, window_bounds = array<i64: 1, 128>}, {transform_indices = @transform_5, window_bounds = array<i64: 10000, 1>}, {pipeline_mode = #tpu.pipeline_mode<synchronous>, transform_indices = @transform_6, window_bounds = array<i64: 8, 128>}]} {
    %get3A = arith.constant 0 : index
    %get3A_0 = arith.constant 0 : index
    %get3A_1 = vector.load %arg1[%get3A, %get3A_0] : memref<20000x128xf32, #tpu.memory_space<vmem>>, vector<20000x128xf32>
    %slice3A = vector.extract_strided_slice %get3A_1 {offsets = [0, 0], sizes = [10000, 128], strides = [1, 1]} : vector<20000x128xf32> to vector<10000x128xf32>
    %slice3A_2 = vector.extract_strided_slice %get3A_1 {offsets = [10000, 0], sizes = [10000, 128], strides = [1, 1]} : vector<20000x128xf32> to vector<10000x128xf32>
    %add3A = arith.addf %slice3A, %slice3A_2 : vector<10000x128xf32>
    %get3A_3 = arith.constant 0 : index
    %get3A_4 = arith.constant 0 : index
    %get3A_5 = vector.load %arg3[%get3A_3, %get3A_4] : memref<128x128xf32, #tpu.memory_space<vmem>>, vector<128x128xf32>
    %dot_general3A = arith.constant dense<0.000000e+00> : vector<10000x128xf32>
    %dot_general3A_6 = tpu.matmul %add3A, %get3A_5, %dot_general3A {dimension_numbers = #tpu.dot_dimension_numbers<[1], [0], [0], [1], [0, 0, 1, 1], [], []>, transpose_lhs_hint = false} : vector<10000x128xf32>, vector<128x128xf32>, vector<10000x128xf32> -> vector<10000x128xf32>
    %get3A_7 = arith.constant 0 : index
    %get3A_8 = arith.constant 0 : index
    %get3A_9 = vector.load %arg2[%get3A_7, %get3A_8] : memref<10000x128xf32, #tpu.memory_space<vmem>>, vector<10000x128xf32>
    %get3A_10 = arith.constant 0 : index
    %get3A_11 = arith.constant 0 : index
    %get3A_12 = vector.load %arg4[%get3A_10, %get3A_11] : memref<128x128xf32, #tpu.memory_space<vmem>>, vector<128x128xf32>
    %dot_general3A_13 = arith.constant dense<0.000000e+00> : vector<10000x128xf32>
    %dot_general3A_14 = tpu.matmul %get3A_9, %get3A_12, %dot_general3A_13 {dimension_numbers = #tpu.dot_dimension_numbers<[1], [0], [0], [1], [0, 0, 1, 1], [], []>, transpose_lhs_hint = false} : vector<10000x128xf32>, vector<128x128xf32>, vector<10000x128xf32> -> vector<10000x128xf32>
    %add3A_15 = arith.addf %dot_general3A_6, %dot_general3A_14 : vector<10000x128xf32>
    %get3A_16 = arith.constant 0 : index
    %get3A_17 = arith.constant 0 : index
    %get3A_18 = vector.load %arg5[%get3A_16, %get3A_17] : memref<1x128xf32, #tpu.memory_space<vmem>>, vector<1x128xf32>
    %add3A_19 = vector.broadcast %get3A_18 : vector<1x128xf32> to vector<10000x128xf32>
    %add3A_20 = arith.addf %add3A_15, %add3A_19 : vector<10000x128xf32>
    %eq3A = arith.constant 0 : i32
    %eq3A_21 = arith.cmpi eq, %arg0, %eq3A : i32
    %convert_element_type3A = arith.extui %eq3A_21 : i1 to i32
    %cond3A = arith.constant 0 : i32
    %cond3A_22 = arith.cmpi ne, %convert_element_type3A, %cond3A : i32
    scf.if %cond3A_22 {
      %broadcast_in_dim3A_115 = arith.constant 0xFF800000 : f32
      %broadcast_in_dim3A_116 = vector.broadcast %broadcast_in_dim3A_115 : f32 to vector<8x128xf32>
      %swap3A_117 = arith.constant 0 : index
      %swap3A_118 = arith.constant 0 : index
      %swap3A_119 = vector.load %arg7[%swap3A_117, %swap3A_118] : memref<8x128xf32, #tpu.memory_space<vmem>>, vector<8x128xf32>
      tpu.vector_store %arg7[%swap3A_117, %swap3A_118], %broadcast_in_dim3A_116 {strides = array<i32>} : memref<8x128xf32, #tpu.memory_space<vmem>>, vector<8x128xf32>,
    } else {
    }
    %get3A_23 = arith.constant 0 : index
    %get3A_24 = arith.constant 0 : index
    %get3A_25 = vector.load %arg6[%get3A_23, %get3A_24] : memref<10000x1xi32, #tpu.memory_space<vmem>>, vector<10000x1xi32>
    %eq3A_26 = arith.constant 0 : i32
    %eq3A_27 = vector.broadcast %eq3A_26 : i32 to vector<10000x1xi32>
    %eq3A_28 = arith.cmpi eq, %get3A_25, %eq3A_27 : vector<10000x1xi32>
    %jit3A = arith.constant 0xFF800000 : f32
    %broadcast_in_dim3A = vector.shape_cast %eq3A_28 : vector<10000x1xi1> to vector<10000x1xi1>
    %broadcast_in_dim3A_29 = vector.broadcast %broadcast_in_dim3A : vector<10000x1xi1> to vector<10000x128xi1>
    %broadcast_in_dim3A_30 = vector.broadcast %jit3A : f32 to vector<10000x128xf32>
    %select_n3A = arith.select %broadcast_in_dim3A_29, %add3A_20, %broadcast_in_dim3A_30 : vector<10000x128xi1>, vector<10000x128xf32>
    %reduce_max3A = arith.constant dense<0xFF800000> : vector<128xf32>
    %reduce_max3A_31 = vector.multi_reduction <maximumf>, %select_n3A, %reduce_max3A [0] : vector<10000x128xf32> to vector<128xf32>
    %eq3A_32 = arith.constant 1 : i32
    %eq3A_33 = vector.broadcast %eq3A_32 : i32 to vector<10000x1xi32>
    %eq3A_34 = arith.cmpi eq, %get3A_25, %eq3A_33 : vector<10000x1xi32>
    %jit3A_35 = arith.constant 0xFF800000 : f32
    %broadcast_in_dim3A_36 = vector.shape_cast %eq3A_34 : vector<10000x1xi1> to vector<10000x1xi1>
    %broadcast_in_dim3A_37 = vector.broadcast %broadcast_in_dim3A_36 : vector<10000x1xi1> to vector<10000x128xi1>
    %broadcast_in_dim3A_38 = vector.broadcast %jit3A_35 : f32 to vector<10000x128xf32>
    %select_n3A_39 = arith.select %broadcast_in_dim3A_37, %add3A_20, %broadcast_in_dim3A_38 : vector<10000x128xi1>, vector<10000x128xf32>
    %reduce_max3A_40 = arith.constant dense<0xFF800000> : vector<128xf32>
    %reduce_max3A_41 = vector.multi_reduction <maximumf>, %select_n3A_39, %reduce_max3A_40 [0] : vector<10000x128xf32> to vector<128xf32>
    %eq3A_42 = arith.constant 2 : i32
    %eq3A_43 = vector.broadcast %eq3A_42 : i32 to vector<10000x1xi32>
    %eq3A_44 = arith.cmpi eq, %get3A_25, %eq3A_43 : vector<10000x1xi32>
    %jit3A_45 = arith.constant 0xFF800000 : f32
    %broadcast_in_dim3A_46 = vector.shape_cast %eq3A_44 : vector<10000x1xi1> to vector<10000x1xi1>
    %broadcast_in_dim3A_47 = vector.broadcast %broadcast_in_dim3A_46 : vector<10000x1xi1> to vector<10000x128xi1>
    %broadcast_in_dim3A_48 = vector.broadcast %jit3A_45 : f32 to vector<10000x128xf32>
    %select_n3A_49 = arith.select %broadcast_in_dim3A_47, %add3A_20, %broadcast_in_dim3A_48 : vector<10000x128xi1>, vector<10000x128xf32>
    %reduce_max3A_50 = arith.constant dense<0xFF800000> : vector<128xf32>
    %reduce_max3A_51 = vector.multi_reduction <maximumf>, %select_n3A_49, %reduce_max3A_50 [0] : vector<10000x128xf32> to vector<128xf32>
    %eq3A_52 = arith.constant 3 : i32
    %eq3A_53 = vector.broadcast %eq3A_52 : i32 to vector<10000x1xi32>
    %eq3A_54 = arith.cmpi eq, %get3A_25, %eq3A_53 : vector<10000x1xi32>
    %jit3A_55 = arith.constant 0xFF800000 : f32
    %broadcast_in_dim3A_56 = vector.shape_cast %eq3A_54 : vector<10000x1xi1> to vector<10000x1xi1>
    %broadcast_in_dim3A_57 = vector.broadcast %broadcast_in_dim3A_56 : vector<10000x1xi1> to vector<10000x128xi1>
    %broadcast_in_dim3A_58 = vector.broadcast %jit3A_55 : f32 to vector<10000x128xf32>
    %select_n3A_59 = arith.select %broadcast_in_dim3A_57, %add3A_20, %broadcast_in_dim3A_58 : vector<10000x128xi1>, vector<10000x128xf32>
    %reduce_max3A_60 = arith.constant dense<0xFF800000> : vector<128xf32>
    %reduce_max3A_61 = vector.multi_reduction <maximumf>, %select_n3A_59, %reduce_max3A_60 [0] : vector<10000x128xf32> to vector<128xf32>
    %eq3A_62 = arith.constant 4 : i32
    %eq3A_63 = vector.broadcast %eq3A_62 : i32 to vector<10000x1xi32>
    %eq3A_64 = arith.cmpi eq, %get3A_25, %eq3A_63 : vector<10000x1xi32>
    %jit3A_65 = arith.constant 0xFF800000 : f32
    %broadcast_in_dim3A_66 = vector.shape_cast %eq3A_64 : vector<10000x1xi1> to vector<10000x1xi1>
    %broadcast_in_dim3A_67 = vector.broadcast %broadcast_in_dim3A_66 : vector<10000x1xi1> to vector<10000x128xi1>
    %broadcast_in_dim3A_68 = vector.broadcast %jit3A_65 : f32 to vector<10000x128xf32>
    %select_n3A_69 = arith.select %broadcast_in_dim3A_67, %add3A_20, %broadcast_in_dim3A_68 : vector<10000x128xi1>, vector<10000x128xf32>
    %reduce_max3A_70 = arith.constant dense<0xFF800000> : vector<128xf32>
    %reduce_max3A_71 = vector.multi_reduction <maximumf>, %select_n3A_69, %reduce_max3A_70 [0] : vector<10000x128xf32> to vector<128xf32>
    %eq3A_72 = arith.constant 5 : i32
    %eq3A_73 = vector.broadcast %eq3A_72 : i32 to vector<10000x1xi32>
    %eq3A_74 = arith.cmpi eq, %get3A_25, %eq3A_73 : vector<10000x1xi32>
    %jit3A_75 = arith.constant 0xFF800000 : f32
    %broadcast_in_dim3A_76 = vector.shape_cast %eq3A_74 : vector<10000x1xi1> to vector<10000x1xi1>
    %broadcast_in_dim3A_77 = vector.broadcast %broadcast_in_dim3A_76 : vector<10000x1xi1> to vector<10000x128xi1>
    %broadcast_in_dim3A_78 = vector.broadcast %jit3A_75 : f32 to vector<10000x128xf32>
    %select_n3A_79 = arith.select %broadcast_in_dim3A_77, %add3A_20, %broadcast_in_dim3A_78 : vector<10000x128xi1>, vector<10000x128xf32>
    %reduce_max3A_80 = arith.constant dense<0xFF800000> : vector<128xf32>
    %reduce_max3A_81 = vector.multi_reduction <maximumf>, %select_n3A_79, %reduce_max3A_80 [0] : vector<10000x128xf32> to vector<128xf32>
    %eq3A_82 = arith.constant 6 : i32
    %eq3A_83 = vector.broadcast %eq3A_82 : i32 to vector<10000x1xi32>
    %eq3A_84 = arith.cmpi eq, %get3A_25, %eq3A_83 : vector<10000x1xi32>
    %jit3A_85 = arith.constant 0xFF800000 : f32
    %broadcast_in_dim3A_86 = vector.shape_cast %eq3A_84 : vector<10000x1xi1> to vector<10000x1xi1>
    %broadcast_in_dim3A_87 = vector.broadcast %broadcast_in_dim3A_86 : vector<10000x1xi1> to vector<10000x128xi1>
    %broadcast_in_dim3A_88 = vector.broadcast %jit3A_85 : f32 to vector<10000x128xf32>
    %select_n3A_89 = arith.select %broadcast_in_dim3A_87, %add3A_20, %broadcast_in_dim3A_88 : vector<10000x128xi1>, vector<10000x128xf32>
    %reduce_max3A_90 = arith.constant dense<0xFF800000> : vector<128xf32>
    %reduce_max3A_91 = vector.multi_reduction <maximumf>, %select_n3A_89, %reduce_max3A_90 [0] : vector<10000x128xf32> to vector<128xf32>
    %eq3A_92 = arith.constant 7 : i32
    %eq3A_93 = vector.broadcast %eq3A_92 : i32 to vector<10000x1xi32>
    %eq3A_94 = arith.cmpi eq, %get3A_25, %eq3A_93 : vector<10000x1xi32>
    %jit3A_95 = arith.constant 0xFF800000 : f32
    %broadcast_in_dim3A_96 = vector.shape_cast %eq3A_94 : vector<10000x1xi1> to vector<10000x1xi1>
    %broadcast_in_dim3A_97 = vector.broadcast %broadcast_in_dim3A_96 : vector<10000x1xi1> to vector<10000x128xi1>
    %broadcast_in_dim3A_98 = vector.broadcast %jit3A_95 : f32 to vector<10000x128xf32>
    %select_n3A_99 = arith.select %broadcast_in_dim3A_97, %add3A_20, %broadcast_in_dim3A_98 : vector<10000x128xi1>, vector<10000x128xf32>
    %reduce_max3A_100 = arith.constant dense<0xFF800000> : vector<128xf32>
    %reduce_max3A_101 = vector.multi_reduction <maximumf>, %select_n3A_99, %reduce_max3A_100 [0] : vector<10000x128xf32> to vector<128xf32>
    %get3A_102 = arith.constant 0 : index
    %get3A_103 = arith.constant 0 : index
    %get3A_104 = vector.load %arg7[%get3A_102, %get3A_103] : memref<8x128xf32, #tpu.memory_space<vmem>>, vector<8x128xf32>
    %stack3A = vector.shape_cast %reduce_max3A_31 : vector<128xf32> to vector<1x128xf32>
    %stack3A_105 = vector.shape_cast %reduce_max3A_41 : vector<128xf32> to vector<1x128xf32>
    %stack3A_106 = vector.shape_cast %reduce_max3A_51 : vector<128xf32> to vector<1x128xf32>
    %stack3A_107 = vector.shape_cast %reduce_max3A_61 : vector<128xf32> to vector<1x128xf32>
    %stack3A_108 = vector.shape_cast %reduce_max3A_71 : vector<128xf32> to vector<1x128xf32>
    %stack3A_109 = vector.shape_cast %reduce_max3A_81 : vector<128xf32> to vector<1x128xf32>
    %stack3A_110 = vector.shape_cast %reduce_max3A_91 : vector<128xf32> to vector<1x128xf32>
    %stack3A_111 = vector.shape_cast %reduce_max3A_101 : vector<128xf32> to vector<1x128xf32>
    %stack3A_112 = tpu.concatenate %stack3A, %stack3A_105, %stack3A_106, %stack3A_107, %stack3A_108, %stack3A_109, %stack3A_110, %stack3A_111 in 0 : vector<1x128xf32>, vector<1x128xf32>, vector<1x128xf32>, vector<1x128xf32>, vector<1x128xf32>, vector<1x128xf32>, vector<1x128xf32>, vector<1x128xf32> -> vector<8x128xf32>
    %max3A = arith.maximumf %get3A_104, %stack3A_112 : vector<8x128xf32>
    %swap3A = arith.constant 0 : index
    %swap3A_113 = arith.constant 0 : index
    %swap3A_114 = vector.load %arg7[%swap3A, %swap3A_113] : memref<8x128xf32, #tpu.memory_space<vmem>>, vector<8x128xf32>
    tpu.vector_store %arg7[%swap3A, %swap3A_113], %max3A {strides = array<i32>} : memref<8x128xf32, #tpu.memory_space<vmem>>, vector<8x128xf32>,
    return
  }
  func.func @transform_0(%arg0: i32) -> (i32, i32) {
    %c0_i32 = arith.constant 0 : i32
    %c0_i32_0 = arith.constant 0 : i32
    %c0_i32_1 = arith.constant 0 : i32
    return %c0_i32, %c0_i32_0 : i32, i32
  }
  func.func @transform_1(%arg0: i32) -> (i32, i32) {
    %c0_i32 = arith.constant 0 : i32
    %c0_i32_0 = arith.constant 0 : i32
    return %arg0, %c0_i32 : i32, i32
  }
  func.func @transform_2(%arg0: i32) -> (i32, i32) {
    %c0_i32 = arith.constant 0 : i32
    %c0_i32_0 = arith.constant 0 : i32
    %c0_i32_1 = arith.constant 0 : i32
    return %c0_i32, %c0_i32_0 : i32, i32
  }
  func.func @transform_3(%arg0: i32) -> (i32, i32) {
    %c0_i32 = arith.constant 0 : i32
    %c0_i32_0 = arith.constant 0 : i32
    %c0_i32_1 = arith.constant 0 : i32
    return %c0_i32, %c0_i32_0 : i32, i32
  }
  func.func @transform_4(%arg0: i32) -> (i32, i32) {
    %c0_i32 = arith.constant 0 : i32
    %c0_i32_0 = arith.constant 0 : i32
    %c0_i32_1 = arith.constant 0 : i32
    return %c0_i32, %c0_i32_0 : i32, i32
  }
  func.func @transform_5(%arg0: i32) -> (i32, i32) {
    %c0_i32 = arith.constant 0 : i32
    %c0_i32_0 = arith.constant 0 : i32
    return %arg0, %c0_i32 : i32, i32
  }
  func.func @transform_6(%arg0: i32) -> (i32, i32) {
    %c0_i32 = arith.constant 0 : i32
    %c0_i32_0 = arith.constant 0 : i32
    %c0_i32_1 = arith.constant 0 : i32
    return %c0_i32, %c0_i32_0 : i32, i32
  }
}

</mosaic_0001>

<sc_bundles>
// kernel: kernel.6.cloned.1.call-start
scs
__scs_entry_jumppad:
0x0: {  	(pc) =	sbr.rel $0x88, $3  }
0x1: {  	(tag) =	ssettag $0x0;
	lr =	simm.s32 $0x1  }
0x2: {  	[smem:$0x3F98] =	sst lr;
	_ =	strace $0xD0000000  }
0x3: {  	_ = 	snop  }
0x4: {  	_ = 	snop  }
0x5: {  	_ = 	snop  }
0x6: {  	_ = 	snop  }
0x7: {  	_ = 	snop  }
__scs_overlays_trampoline_lowered:
0x8: {  	[smem:$0x3FA7] =	sst s0  }
0x9: {  	[smem:$0x3FA8] =	sst s1  }
0xa: {  	[smem:$0x3FA9] =	sst s2  }
0xb: {  	[smem:$0x3FAA] =	sst s3  }
0xc: {  	[smem:$0x3FAB] =	sst s4  }
0xd: {  	[smem:$0x3FAC] =	sst s5  }
0xe: {  	[smem:$0x3FAD] =	sst s6  }
0xf: {  	[smem:$0x3FAE] =	sst s7  }
0x10: {  	[smem:$0x3FAF] =	sst s8  }
0x11: {  	[smem:$0x3FB0] =	sst s9;
	s0 =	simm.s32 @!p0 $0x0  }
0x12: {  	s1 =	sld [smem:$0x3F96];
	s0 =	simm.s32 @p0 $0x1  }
0x13: {  	[smem:$0x3FB1] =	sst s0;
	s0 =	simm.s32 @!p1 $0x0  }
0x14: {  	s2 =	sld [smem:$0x3F95];
	s0 =	simm.s32 @p1 $0x1  }
0x15: {  	[smem:$0x3FB2] =	sst s0;
	s0 =	simm.s32 @!p2 $0x0  }
0x16: {  	s3 =	sld [smem:$0x3FDB];
	s0 =	simm.s32 @p2 $0x1  }
0x17: {  	s4 =	simm.s32 $0x1BF5;
	[smem:$0x3FB4] =	sst s0  }
0x18: {  	s0 =	sld [smem:$0x3F97];
	_ =	swait.ge [sflag:s4], $0x0  }
0x19: {  	s7 =	sld [smem:$0x3F98]  }
0x1a: {  	s8 =	sadd.s32 $0xFFFFE003, lr  }
0x1b: {  	s9 =	sadd.s32 $0xFFFFFEF7, lr;
	s5 =	simm.s32 $0xFFFFFFFF;
	p2 =	slt.u32 s8, $0xFFFFF086  }
0x1c: {  	p1 =	slt.u32 s9, $0xF7A;
	s5 =	simm.s32 @!p2 $0x0  }
0x1d: {  	s5 =	simm.s32 @p1 $0x1;
	p0 =	seq.s32 s7, s2  }
0x1e: {  	s7 =	smul.u32 @!p0 $0xF7A, s2;
	p2 =	seq.s32 @!p0 s5, $0x0  }
0x1f: {  	s9 =	smul.u32 $0xF7A, s1;
	s8 =	simm.s32 @!p0 $0x1BF5;
	p2 =	por !p2, p0  }
0x20: {  	[sflag:s8] =	ssyncset.s32 @!p0 $0xFFFFF086;
	s6 =	sadd.s32 @!p0 s3, s7;
	s7 =	simm.s32 @!p0 $0x108  }
0x21: {  	s3 =	sadd.s32 s3, s9;
	s6 =	sadd.s32 @!p0 $0x88, s6;
	s7 =	simm.s32 @p2 $0x1082  }
0x22: {  	[simem:s7], [sflag:s8] =	dma.local @!p0 [hbm:s6], $0xF7A  }
0x23: {  	s9 =	sor.u32 $0xD0000000, s2;
	s6 =	simm.s32 $0x108;
	_ =	swait.ge @!p0 [sflag:s8], $0x0  }
0x24: {  	s3 =	sadd.s32 $0x88, s3;
	s6 =	simm.s32 @!p1 $0x1082;
	[sflag:s4] =	ssyncset.s32 $0xFFFFF086  }
0x25: {  	[simem:s6], [sflag:s4] =	dma.local [hbm:s3], $0xF7A  }
0x26: {  	[smem:$0x3F98] =	sst s1;
	(tag) =	ssettag s2;
	_ =	strace s9  }
0x27: {  	s1 =	sld [smem:$0x3FA8]  }
0x28: {  	s2 =	sld [smem:$0x3FA9]  }
0x29: {  	s4 =	sld [smem:$0x3FAB]  }
0x2a: {  	p0 =	seq.s32 s5, $0x0;
	s5 =	sld [smem:$0x3FAC]  }
0x2b: {  	s6 =	sld [smem:$0x3FAD]  }
0x2c: {  	s7 =	sld [smem:$0x3FAE]  }
0x2d: {  	s3 =	simm.s32 $0x108;
	s8 =	sld [smem:$0x3FAF]  }
0x2e: {  	s3 =	simm.s32 @!p0 $0x1082;
	s9 =	sld [smem:$0x3FB0]  }
0x2f: {  	lr =	sadd.s32 s0, s3;
	s0 =	sld [smem:$0x3FA7]  }
0x30: {  	s3 =	sld [smem:$0x3FAA]  }
0x31: {  	[smem:$0x3FB3] =	sst s10  }
0x32: {  	s10 =	sld [smem:$0x3FB1];
	_ =	sdelay $0x3  }
0x33: {  	p0 =	seq.s32 s10, $0x1;
	s10 =	sld [smem:$0x3FB3];
	_ =	sdelay $0x3  }
0x34: {  	[smem:$0x3FB3] =	sst s10  }
0x35: {  	s10 =	sld [smem:$0x3FB2];
	_ =	sdelay $0x3  }
0x36: {  	p1 =	seq.s32 s10, $0x1;
	s10 =	sld [smem:$0x3FB3];
	_ =	sdelay $0x3  }
0x37: {  	[smem:$0x3FB3] =	sst s10  }
0x38: {  	s10 =	sld [smem:$0x3FB4]  }
0x39: {  	_ = 	snop;
	(pc) =	sbr.ind lr, $3  }
0x3a: {  	_ = 	snop  }
0x3b: {  	_ = 	snop  }
0x3c: {  	p2 =	seq.s32 s10, $0x1;
	s10 =	sld [smem:$0x3FB3]  }
0x3d: {  	_ =	shalt  }
0x3e: {  	_ =	shalt  }
0x3f: {  	_ =	shalt  }
0x40: {  	_ =	shalt  }
0x41: {  	_ =	shalt  }
0x42: {  	_ =	shalt  }
0x43: {  	_ =	shalt  }
0x44: {  	_ =	shalt  }
0x45: {  	_ =	shalt  }
0x46: {  	_ =	shalt  }
0x47: {  	_ =	shalt  }
0x48: {  	_ =	shalt  }
0x49: {  	_ =	shalt  }
0x4a: {  	_ =	shalt  }
0x4b: {  	_ =	shalt  }
0x4c: {  	_ =	shalt  }
0x4d: {  	_ =	shalt  }
0x4e: {  	_ =	shalt  }
0x4f: {  	_ =	shalt  }
0x50: {  	_ =	shalt  }
0x51: {  	_ =	shalt  }
0x52: {  	_ =	shalt  }
0x53: {  	_ =	shalt  }
0x54: {  	_ =	shalt  }
0x55: {  	_ =	shalt  }
0x56: {  	_ =	shalt  }
0x57: {  	_ =	shalt  }
0x58: {  	_ =	shalt  }
0x59: {  	_ =	shalt  }
0x5a: {  	_ =	shalt  }
0x5b: {  	_ =	shalt  }
0x5c: {  	_ =	shalt  }
0x5d: {  	_ =	shalt  }
0x5e: {  	_ =	shalt  }
0x5f: {  	_ =	shalt  }
0x60: {  	_ =	shalt  }
0x61: {  	_ =	shalt  }
0x62: {  	_ =	shalt  }
0x63: {  	_ =	shalt  }
0x64: {  	_ =	shalt  }
0x65: {  	_ =	shalt  }
0x66: {  	_ =	shalt  }
0x67: {  	_ =	shalt  }
0x68: {  	_ =	shalt  }
0x69: {  	_ =	shalt  }
0x6a: {  	_ =	shalt  }
0x6b: {  	_ =	shalt  }
0x6c: {  	_ =	shalt  }
0x6d: {  	_ =	shalt  }
0x6e: {  	_ =	shalt  }
0x6f: {  	_ =	shalt  }
0x70: {  	_ =	shalt  }
0x71: {  	_ =	shalt  }
0x72: {  	_ =	shalt  }
0x73: {  	_ =	shalt  }
0x74: {  	_ =	shalt  }
0x75: {  	_ =	shalt  }
0x76: {  	_ =	shalt  }
0x77: {  	_ =	shalt  }
0x78: {  	_ =	shalt  }
0x79: {  	_ =	shalt  }
0x7a: {  	_ =	shalt  }
0x7b: {  	_ =	shalt  }
0x7c: {  	_ =	shalt  }
0x7d: {  	_ =	shalt  }
0x7e: {  	_ =	shalt  }
0x7f: {  	_ =	shalt  }
0x80: {  	_ =	shalt  }
0x81: {  	_ =	shalt  }
0x82: {  	_ =	shalt  }
0x83: {  	_ =	shalt  }
0x84: {  	_ =	shalt  }
0x85: {  	_ =	shalt  }
0x86: {  	_ =	shalt  }
0x87: {  	_ =	shalt  }
.Lfunc_end0:
.L_simem_size_0:
called_computation_lowered:
.L_overlay_start_0:
0x88: {  	s2 =	sld [smem:$0x3FD9]  }
0x89: {  	s3 =	sld [smem:$0x3FFE];
	_ =	sdelay $0x1  }
0x8a: {  	s1 =	srdreg.scid  }
0x8b: {  	s0 =	sand.u32 $0x1, s1  }
0x8c: {  	s17 =	sshll.u32 s0, $0xA;
	s2 =	sadd.s32 s3, s2  }
0x8d: {  	s2 =	sadd.s32 s2, s17  }
0x8e: {  	[smem:$0x3FBF] =	sst s2  }
0x8f: {  	_ = 	snop  }
0x90: {  	s2 =	sld [smem:$0x3FC9];
	(tm) =	ssettm $0x1  }
0x91: {  	s18 =	sld [smem:$0x3FFB];
	_ =	sdelay $0x3  }
0x92: {  	_ =	strace s18  }
0x93: {  	s3 =	sld [smem:$0x3FFC];
	_ =	sdelay $0x3  }
0x94: {  	_ =	strace s3  }
0x95: {  	s3 =	sld [smem:$0x3FFD];
	_ =	sdelay $0x3  }
0x96: {  	_ =	strace s3  }
0x97: {  	_ =	strace $0x8FFFFFFF  }
0x98: {  	s19 =	sld [smem:$0x3FDB];
	_ =	sdelay $0x1  }
0x99: {  	s4 =	simm.s32 $_scs_section_size  }
0x9a: {  	s5 =	simm.s32 $_size__tile_overlayer_lowered;
	s6 =	simm.s32 $_tile_overlayer_lowered  }
0x9b: {  	s22 =	simm.s32 $0x1BFF;
	s21 =	sshll.u32 s6, $0x1;
	s3 =	sadd.s32 s4, s19  }
0x9c: {  	s7 =	simm.s32 $0x0;
	s20 =	sshll.u32 s5, $0x1;
	s5 =	sadd.s32 s21, s3  }
0x9d: {  	[timem:s7], [sflag:s22] =	dma.local [hbm:s5], s20  }
0x9e: {  	_ =	swait.ge [sflag:s22], s20  }
0x9f: {  	s4 =	ssub.s32 $0x0, s20;
	[sflag:s22] =	ssyncset.done $0x0  }
0xa0: {  	[sflag:s22] =	ssyncadd.s32 s4;
	_ =	sdelay $0x1  }
0xa1: {  	s23 =	simm.s32 $0x1B8B  }
0xa2: {  	_ =	swait.ge [sflag:s23], $0x1  }
0xa3: {  	[sflag:s23] =	ssyncset.done $0x0  }
0xa4: {  	s25 =	simm.s32 $0x1B8E;
	s24 =	sld [smem:$0x3FFE];
	[sflag:s23] =	ssyncadd.s32 $0xFFFFFFFF  }
0xa5: {  	s26 =	simm.s32 $execute0_lowered;
	[smem:$0x3FD2] =	sst s25  }
0xa6: {  	s5 =	sshll.u32 s26, $0x1;
	_ =	strace $0x80000046;
	[dreg:$0x1] =	wrdreg $0xFFFFFFFF  }
0xa7: {  	s28 =	simm.s32 $_size_execute0_lowered;
	s3 =	sadd.s32 s3, s5;
	[dreg:$0x0] =	wrdreg $0x0  }
0xa8: {  	s5 =	sshll.u32 s28, $0x1;
	[dreg:$0x2] =	wrdreg s3  }
0xa9: {  	[dreg:$0x3] =	wrdreg s5  }
0xaa: {  	[dreg:$0x4] =	wrdreg $0xC0  }
0xab: {  	_ =	task [dreg:s7], $0x5FFFF  }
0xac: {  	[dreg:$0x1] =	wrdreg $0xFFFFFFFF  }
0xad: {  	[dreg:$0x0] =	wrdreg $0x60  }
0xae: {  	[dreg:$0x2] =	wrdreg s2  }
0xaf: {  	[dreg:$0x3] =	wrdreg s24  }
0xb0: {  	[dreg:$0x4] =	wrdreg $0xBA000  }
0xb1: {  	[dreg:$0x5] =	wrdreg $0x9  }
0xb2: {  	_ =	task.clear_ibuf [dreg:s7], $0x6FFFF;
	_ =	strace $0x90000046  }
0xb3: {  	s29 =	simm.s32 $0x9;
	_ =	strace $0x80000048  }
0xb4: {  	_ =	swait.ge [sflag:s29], $0x1  }
0xb5: {  	[sflag:s29] =	ssyncadd.s32 $0xFFFFFFFF  }
0xb6: {  	_ =	strace $0x90000048  }
0xb7: {  	_ =	sfence  }
0xb8: {  	s30 =	sld [smem:$0x0];
	_ =	sdelay $0x2  }
0xb9: {  	s31 =	sshll.u32 s1, $0xD;
	s1 =	sshrl.u32 s1, $0x2  }
0xba: {  	s3 =	sand.u32 $0x4000, s31;
	s1 =	sadd.s32 s1, s30  }
0xbb: {  	s0 =	sor.u32 s3, s0;
	s1 =	sshll.u32 s1, $0x11  }
0xbc: {  	s0 =	sor.u32 s1, s0  }
0xbd: {  	s0 =	sadd.s32 $0x8F2B, s0  }
0xbe: {  	[sflag:s0] =	ssyncadd.remote.s32 $0x1  }
0xbf: {  	_ =	sfence.sel $0xFFFF  }
0xc0: {  	[dreg:$0x0] =	wrdreg $0xFFFFFFFF;
	(pc) =	sbr.abs _section_cstart, $3  }
0xc1: {  	[dreg:$0x1] =	wrdreg $0xFFFFFFFF  }
0xc2: {  	_ =	task.clear_ibuf [dreg:s7], $0x2FFFF;
	_ =	strace $0x9FFFFFFF  }
0xc3: {  	(tm) =	ssettm $0x7FFFFFFF  }
tec
execute0_lowered:
.L_overlay_start_1:
0x0: {  	(tag) =	ssettag $0x1  }
0x1: {  	s1 =	rddreg [dreg:$0x0]  }
0x2: {  	s0 =	rddreg [dreg:$0x1]  }
0x3: {  	s2 =	rddreg [dreg:$0x2]  }
0x4: {  	s3 =	srdreg.scid;
	s9 =	stileid.u32;
	s18 =	simm.s32 $0xB  }
0x5: {  	s19 =	simm.s32 $0x80;
	s20 =	simm.s32 $0x1;
	s21 =	simm.s32 $0x50  }
0x6: {  	s28 =	simm.s32 $0x6;
	s29 =	simm.s32 $0x4;
	s30 =	simm.s32 $0x7  }
0x7: {  	s31 =	simm.s32 $0x8;
	s17 =	simm.s32 $0x6A00;
	s12 =	smul.u32 $0x4E000, s9  }
0x8: {  	s7 =	sand.u32 $0x1, s3;
	s3 =	simm.s32 $0x0;
	s13 =	smul.u32 $0x2700, s9  }
0x9: {  	s14 =	sshll.u32 s9, $0x6;
	s16 =	sadd.s32 $0x138000, s2;
	p0 =	sne.s32 s9, $0x0  }
0xa: {  	s4 =	sshll.u32 s7, $0x4;
	[smem:$0x7FF] =	sst s3;
	s23 =	smul.u32 $0x138800, s7  }
0xb: {  	s8 =	ssub.s32 $0x2, s7;
	s7 =	smul.u32 $0x27100, s7;
	s16 =	sshrl.u32 @!p0 s16, $0x3  }
0xc: {  	s6 =	sor.u32 s9, s4;
	_ =	strace $0x80000047;
	s4 =	sadd.s32 $0x1E00, s0  }
0xd: {  	s11 =	sshrl.u32 s8, $0x1;
	s22 =	sshrl.u32 s12, $0x2;
	[dreg:$0x4] =	wrdreg s14  }
0xe: {  	s9 =	simm.s32 $0x2;
	s5 =	sshll.u32 s6, $0xB;
	s11 =	ssub.s32 s8, s11  }
0xf: {  	s6 =	smul.u32 $0x2710, s6;
	s12 =	sadd.s32 s22, s2;
	s8 =	sor.u32 $0x1C0A, s14  }
0x10: {  	s14 =	sshrl.u32 s23, $0x3;
	s7 =	sadd.s32 s13, s7;
	s22 =	simm.s32 $0x4200  }
0x11: {  	s23 =	simm.s32 $0xA;
	s10 =	sadd.s32 s5, s0;
	s5 =	sadd.s32 $0x1BC00, s0  }
0x12: {  	s0 =	sadd.s32 $0x1E400, s0;
	s15 =	sshrl.u32 s6, $0x3;
	s10 =	sadd.s32 $0xBC00, s10  }
0x13: {  	s25 =	sadd.s32 s0, s14;
	s0 =	sadd.s32 s0, s7;
	s14 =	smax.u32 s11, $0x1  }
.Ltmp0:
0x14: {  	s7 =	simm.s32 $0x0;
	[dreg:$0x5] =	wrdreg s10;
	(pc) =	sbr.rel .LBB2_1-.Ltmp0, $4  }
0x15: {  	s24 =	sadd.s32 s4, s15;
	[dreg:$0x8] =	wrdreg s0;
	s26 =	sadd.s32 $0x27000, s25  }
0x16: {  	s15 =	sshrl.u32 s12, $0x3;
	s25 =	simm.s32 $0x3;
	[dreg:$0x6] =	wrdreg s24  }
0x17: {  	s0 =	simm.s32 $0x5;
	s10 =	sadd.s32 $0xA, s24;
	[dreg:$0x9] =	wrdreg s26  }
0x18: {  	s24 =	simm.s32 $0x100;
	s26 =	simm.s32 $0x9200;
	[dreg:$0x7] =	wrdreg s10  }
.LBB2_21:
0x19: {  	_ =	swait.ge [sflag:s30], $0x2800  }
0x1a: {  	[sflag:s30] =	ssyncset.done $0x0  }
0x1b: {  	[sflag:s30] =	ssyncadd.s32 $0xFFFFD800  }
0x1c: {  	_ =	swait.ge [sflag:s31], $0x2800  }
0x1d: {  	[sflag:s31] =	ssyncset.done $0x0  }
0x1e: {  	[sflag:s31] =	ssyncadd.s32 $0xFFFFD800  }
0x1f: {  	[bflag:$0x0] =	sbarrier.arrive $0xFFFF  }
0x20: {  	s10 =	rddreg [dreg:$0x4]  }
0x21: {  	s11 =	rddreg [dreg:$0x8];
	s10 =	sor.u32 $0x1C0B, s10  }
0x22: {  	[hbm:s11], [sflag:s10] =	dma.local [spmem:s15], $0x2700  }
0x23: {  	_ =	swait.ge [sflag:s18], $0x2700  }
0x24: {  	s7 =	sadd.s32 $0x1, s7;
	[sflag:s18] =	ssyncset.done $0x0  }
0x25: {  	p1 =	sne.s32 s7, s14;
	s11 =	rddreg [dreg:$0x9];
	[sflag:s18] =	ssyncadd.s32 $0xFFFFD900  }
0x26: {  	[hbm:s11], [sflag:s10] =	dma.local @!p0 [spmem:s16], $0x100  }
.Ltmp1:
0x27: {  	_ = 	snop;
	(pc) =	sbr.rel @!p1 .LBB2_22-.Ltmp1, $4  }
0x28: {  	s10 =	simm.s32 @!p0 $0xB  }
0x29: {  	_ =	swait.ge @!p0 [sflag:s10], $0x100  }
0x2a: {  	[sflag:s10] =	ssyncset.done @!p0 $0x0  }
0x2b: {  	[sflag:s10] =	ssyncadd.s32 @!p0 $0xFFFFFF00  }
.LBB2_1:
0x2c: {  	[spmem:s15], [sflag:s8] =	dma.local [hbm:s5], $0x2700  }
0x2d: {  	[spmem:s16], [sflag:s8] =	dma.local @!p0 [hbm:s5], $0x100  }
0x2e: {  	s11 =	simm.s32 $0x200;
	s10 =	rddreg [dreg:$0x5]  }
0x2f: {  	[tilespmem:s11], [sflag:$0xB] =	stream.linear.gather [hbm4b:s10+s3], $0x3E80, $0x38;
	[tilespmem:$0x1F280] =	vst v63  }
0x30: {  	_ =	swait.ge [sflag:s18], $0x3E80  }
0x31: {  	[sflag:s18] =	ssyncset.done $0x0  }
0x32: {  	s12 =	rddreg [dreg:$0x6];
	[sflag:s18] =	ssyncadd.s32 $0xFFFFC180  }
0x33: {  	[tilespmem:s3], [sflag:$0x1] =	stream.linear.gather [hbm4b:s12+s3], $0x50, $0x38;
	[tilespmem:$0x1F280] =	vst v63  }
0x34: {  	s13 =	rddreg [dreg:$0x7]  }
0x35: {  	[tilespmem:s19], [sflag:$0x2] =	stream.linear.gather [hbm4b:s13+s3], $0x50, $0x38;
	[tilespmem:$0x1F280] =	vst v63  }
0x36: {  	_ =	swait.ge [sflag:s20], $0x50  }
0x37: {  	[sflag:s20] =	ssyncset.done $0x0  }
0x38: {  	[sflag:s20] =	ssyncadd.s32 $0xFFFFFFB0  }
0x39: {  	[tilespmem:s22], [sflag:$0x4] =	stream.indirect.gather [hbm4b:s1+s21], $0x80, s3, s21, $0xb8;
	[tilespmem:$0x1F280] =	vst v63  }
0x3a: {  	_ =	swait.ge [sflag:s23], $0x2700  }
0x3b: {  	[sflag:s23] =	ssyncset.done $0x0  }
0x3c: {  	s11 =	simm.s32 @!p0 $0xA;
	[sflag:s23] =	ssyncadd.s32 $0xFFFFD900  }
.Ltmp2:
0x3d: {  	_ =	swait.ge @!p0 [sflag:s11], $0x100;
	(pc) =	sbr.rel .LBB2_2-.Ltmp2, $4  }
0x3e: {  	[sflag:s11] =	ssyncset.done @!p0 $0x0  }
0x3f: {  	[sflag:s11] =	ssyncadd.s32 @!p0 $0xFFFFFF00  }
0x40: {  	[bflag:$0x0] =	sbarrier.arrive $0xFFFF  }
0x41: {  	s11 =	simm.s32 $0x0  }
.LBB2_19:
0x42: {  	_ =	swait.ge [sflag:s28], $0x2800;
	s10 =	sshll.u32 s11, $0x7  }
0x43: {  	[sflag:s28] =	ssyncset.done $0x0;
	s10 =	sand.u32 $0x3FFFFF80, s10  }
0x44: {  	[sflag:s28] =	ssyncadd.s32 $0xFFFFD800;
	s10 =	sadd.s32 $0x200, s10  }
0x45: {  	[spmem:s2] =	stream.indirect.scatter.add.f32 [tilespmem:s26], [sflag:$0x9], $0x80, s10, s21, $0xb8;
	[tilespmem:$0x1F280] =	vst v63  }
.LBB2_20:
0x46: {  	p1 =	slt.u32 s12, $0x7D  }
.Ltmp3:
0x47: {  	_ = 	snop;
	(pc) =	sbr.rel @!p1 .LBB2_21-.Ltmp3, $2  }
0x48: {  	_ =	sdelay $0x2  }
0x49: {  	s11 =	smov.u32 s12  }
.LBB2_2:
0x4a: {  	p1 =	sgt.u32 s11, $0x7A  }
.Ltmp4:
0x4b: {  	_ = 	snop;
	(pc) =	sbr.rel @p1 .LBB2_17-.Ltmp4, $1  }
0x4c: {  	_ =	sdelay $0x3  }
0x4d: {  	s12 =	sadd.s32 $0x2, s11  }
0x4e: {  	s13 =	smul.u32 $0xAB, s12;
	_ =	sdelay $0x1  }
0x4f: {  	s13 =	sshrl.u32 s13, $0x9  }
0x50: {  	s13 =	sand.u32 $0x7F, s13  }
0x51: {  	s13 =	smul.u32 $0x3, s13;
	_ =	sdelay $0x1  }
0x52: {  	s10 =	smul.u32 $0x50, s12;
	s12 =	ssub.s32 s12, s13  }
0x53: {  	s13 =	sand.u32 $0xFF, s12  }
0x54: {  	p1 =	seq.s32 s13, $0x2  }
.Ltmp5:
0x55: {  	_ = 	snop;
	(pc) =	sbr.rel @p1 .LBB2_5-.Ltmp5, $4  }
0x56: {  	_ = 	snop  }
0x57: {  	s10 =	sadd.s32 s6, s10  }
0x58: {  	s10 =	sshrl.u32 s10, $0x3  }
0x59: {  	s12 =	sadd.s32 s4, s10  }
.Ltmp6:
0x5a: {  	(pc) =	sbr.rel .LBB2_6-.Ltmp6, $4  }
0x5b: {  	p1 =	seq.s32 s13, $0x1  }
0x5c: {  	[tilespmem:s19], [sflag:$0x2] =	stream.linear.gather @p1 [hbm4b:s12+s3], $0x50, $0x38;
	[tilespmem:$0x1F280] =	vst v63  }
0x5d: {  	_ = 	snop  }
0x5e: {  	[tilespmem:s3], [sflag:$0x1] =	stream.linear.gather @!p1 [hbm4b:s12+s3], $0x50, $0x38;
	[tilespmem:$0x1F280] =	vst v63  }
.LBB2_17:
0x5f: {  	p1 =	seq.s32 s11, $0x7C  }
.Ltmp7:
0x60: {  	_ = 	snop;
	(pc) =	sbr.rel @!p1 .LBB2_10-.Ltmp7, $4  }
.Ltmp8:
0x61: {  	_ = 	snop;
	(pc) =	sbr.rel @p1 .LBB2_18-.Ltmp8, $4  }
0x62: {  	_ = 	snop  }
0x63: {  	_ = 	snop  }
0x64: {  	s12 =	simm.s32 $0x7C;
	s13 =	simm.s32 $0x7D  }
0x65: {  	_ = 	snop  }
.LBB2_5:
0x66: {  	[tilespmem:s24], [sflag:$0x3] =	stream.linear.gather [hbm4b:s12+s3], $0x50, $0x38;
	[tilespmem:$0x1F280] =	vst v63  }
.LBB2_6:
0x67: {  	s12 =	sadd.s32 $0x1, s11  }
0x68: {  	s10 =	smul.u32 $0xAB, s12;
	_ =	sdelay $0x1  }
0x69: {  	s10 =	sshrl.u32 s10, $0x9  }
0x6a: {  	s10 =	sand.u32 $0x7F, s10  }
0x6b: {  	s10 =	smul.u32 $0x3, s10;
	_ =	sdelay $0x1  }
0x6c: {  	s10 =	ssub.s32 s12, s10  }
0x6d: {  	s13 =	sand.u32 $0xFF, s10  }
0x6e: {  	p1 =	seq.s32 s13, $0x2  }
.Ltmp9:
0x6f: {  	_ = 	snop;
	(pc) =	sbr.rel @p1 .LBB2_12-.Ltmp9, $1  }
0x70: {  	_ =	sdelay $0x3  }
0x71: {  	p1 =	seq.s32 s13, $0x1  }
.Ltmp10:
0x72: {  	_ = 	snop;
	(pc) =	sbr.rel @!p1 .LBB2_8-.Ltmp10, $1  }
0x73: {  	_ =	sdelay $0x3  }
0x74: {  	p1 =	slt.u32 s11, $0x2  }
.Ltmp11:
0x75: {  	_ = 	snop;
	(pc) =	sbr.rel @p1 .LBB2_11-.Ltmp11, $1  }
0x76: {  	_ =	sdelay $0x3  }
.LBB2_10:
0x77: {  	_ =	swait.ge [sflag:s31], $0x2800  }
0x78: {  	[sflag:s31] =	ssyncset.done $0x0  }
0x79: {  	[sflag:s31] =	ssyncadd.s32 $0xFFFFD800  }
.LBB2_11:
.Ltmp12:
0x7a: {  	(pc) =	sbr.rel .LBB2_13-.Ltmp12, $4  }
0x7b: {  	_ =	swait.ge [sflag:s9], $0x50  }
0x7c: {  	[sflag:s9] =	ssyncset.done $0x0  }
0x7d: {  	[sflag:s9] =	ssyncadd.s32 $0xFFFFFFB0  }
0x7e: {  	[tilespmem:s17], [sflag:$0x5] =	stream.indirect.gather [hbm4b:s1+s21], $0x80, s19, s21, $0xb8;
	[tilespmem:$0x1F280] =	vst v63  }
.LBB2_12:
0x7f: {  	p1 =	slt.u32 s11, $0x2  }
0x80: {  	s10 =	simm.s32 @!p1 $0x9  }
0x81: {  	_ =	swait.ge @!p1 [sflag:s10], $0x2800  }
0x82: {  	[sflag:s10] =	ssyncset.done @!p1 $0x0  }
.Ltmp13:
0x83: {  	[sflag:s10] =	ssyncadd.s32 @!p1 $0xFFFFD800;
	(pc) =	sbr.rel .LBB2_13-.Ltmp13, $4  }
0x84: {  	_ =	swait.ge [sflag:s25], $0x50  }
0x85: {  	[sflag:s25] =	ssyncset.done $0x0  }
0x86: {  	[sflag:s25] =	ssyncadd.s32 $0xFFFFFFB0  }
0x87: {  	[tilespmem:s26], [sflag:$0x6] =	stream.indirect.gather [hbm4b:s1+s21], $0x80, s24, s21, $0xb8;
	[tilespmem:$0x1F280] =	vst v63  }
.LBB2_8:
0x88: {  	p1 =	slt.u32 s11, $0x2  }
0x89: {  	s10 =	simm.s32 @!p1 $0x7  }
0x8a: {  	_ =	swait.ge @!p1 [sflag:s10], $0x2800  }
0x8b: {  	[sflag:s10] =	ssyncset.done @!p1 $0x0  }
0x8c: {  	[sflag:s10] =	ssyncadd.s32 @!p1 $0xFFFFD800  }
0x8d: {  	_ =	swait.ge [sflag:s20], $0x50  }
0x8e: {  	[sflag:s20] =	ssyncset.done $0x0  }
0x8f: {  	[sflag:s20] =	ssyncadd.s32 $0xFFFFFFB0  }
0x90: {  	[tilespmem:s22], [sflag:$0x4] =	stream.indirect.gather [hbm4b:s1+s21], $0x80, s3, s21, $0xb8;
	[tilespmem:$0x1F280] =	vst v63  }
.LBB2_13:
0x91: {  	s10 =	smul.u32 $0xAB, s11;
	_ =	sdelay $0x1  }
0x92: {  	s10 =	sshrl.u32 s10, $0x9  }
0x93: {  	s10 =	sand.u32 $0x7F, s10  }
0x94: {  	s10 =	smul.u32 $0x3, s10;
	_ =	sdelay $0x1  }
0x95: {  	s10 =	ssub.s32 s11, s10  }
0x96: {  	s13 =	sand.u32 $0xFF, s10  }
0x97: {  	p1 =	seq.s32 s13, $0x2  }
.Ltmp14:
0x98: {  	_ = 	snop;
	(pc) =	sbr.rel @p1 .LBB2_19-.Ltmp14, $1  }
0x99: {  	_ =	sdelay $0x3  }
0x9a: {  	p1 =	seq.s32 s13, $0x1  }
.Ltmp15:
0x9b: {  	_ = 	snop;
	(pc) =	sbr.rel @!p1 .LBB2_16-.Ltmp15, $1  }
0x9c: {  	_ =	sdelay $0x3  }
0x9d: {  	s13 =	smov.u32 s12  }
.LBB2_18:
.Ltmp16:
0x9e: {  	(pc) =	sbr.rel .LBB2_20-.Ltmp16, $4  }
0x9f: {  	_ =	swait.ge [sflag:s0], $0x2800;
	s10 =	sshll.u32 s11, $0x7  }
0xa0: {  	[sflag:s0] =	ssyncset.done $0x0;
	s10 =	sand.u32 $0x3FFFFF80, s10  }
0xa1: {  	s12 =	smov.u32 s13;
	[sflag:s0] =	ssyncadd.s32 $0xFFFFD800;
	s10 =	sadd.s32 $0x200, s10  }
0xa2: {  	[spmem:s2] =	stream.indirect.scatter.add.f32 [tilespmem:s17], [sflag:$0x8], $0x80, s10, s21, $0xb8;
	[tilespmem:$0x1F280] =	vst v63  }
.LBB2_16:
.Ltmp17:
0xa3: {  	(pc) =	sbr.rel .LBB2_20-.Ltmp17, $4  }
0xa4: {  	_ =	swait.ge [sflag:s29], $0x2800;
	s10 =	sshll.u32 s11, $0x7  }
0xa5: {  	[sflag:s29] =	ssyncset.done $0x0;
	s10 =	sand.u32 $0x3FFFFF80, s10  }
0xa6: {  	[sflag:s29] =	ssyncadd.s32 $0xFFFFD800;
	s10 =	sadd.s32 $0x200, s10  }
0xa7: {  	[spmem:s2] =	stream.indirect.scatter.add.f32 [tilespmem:s22], [sflag:$0x7], $0x80, s10, s21, $0xb8;
	[tilespmem:$0x1F280] =	vst v63  }
.LBB2_22:
0xa8: {  	_ =	sfence.sel $0x180000  }
0xa9: {  	[bflag:$0x0] =	sbarrier.arrive $0xFFFF  }
0xaa: {  	_ =	strace $0x90000047  }
0xab: {  	[bflag:$0x2] =	sbarrier.arrive $0xFFFF  }
0xac: {  	s0 =	rddreg [dreg:$0x3]  }
0xad: {  	s0 =	sadd.s32 @!p0 $0x100000, s0  }
0xae: {  	[sflag:s0] =	ssyncadd.tile.s32 @!p0 $0x1;
	_ =	shalt  }
.Lfunc_end2:
_tile_overlayer_lowered:
.L_overlay_start_2:
0xaf: {  	(tag) =	ssettag $0x2  }
0xb0: {  	s0 =	rddreg [dreg:$0x0];
	s2 =	stileid.u32  }
0xb1: {  	s1 =	rddreg [dreg:$0x1];
	p0 =	sne.s32 s2, $0x0  }
0xb2: {  	s3 =	rddreg [dreg:$0x2];
	[bflag:$0x3] =	sbarrier.arrive $0xFFFF;
	s2 =	simm.s32 @!p0 $0x1C0B  }
0xb3: {  	[timem:s3], [sflag:s2] =	dma.local @!p0 [hbm:s0], s1  }
0xb4: {  	s0 =	simm.s32 @!p0 $0xB  }
0xb5: {  	_ =	swait.ge @!p0 [sflag:s0], s1  }
0xb6: {  	s1 =	ssub.s32 @!p0 $0x0, s1;
	[sflag:s0] =	ssyncset.done @!p0 $0x0  }
0xb7: {  	[sflag:s0] =	ssyncadd.s32 @!p0 s1  }
0xb8: {  	[bflag:$0x3] =	sbarrier.arrive $0xFFFF  }
0xb9: {  	_ =	shalt  }

// kernel: kernel.9.cloned.1.call-start
scs
__scs_entry_jumppad:
0x0: {  	(pc) =	sbr.rel $0x88, $3  }
0x1: {  	(tag) =	ssettag $0x0;
	lr =	simm.s32 $0x1  }
0x2: {  	[smem:$0x3F98] =	sst lr;
	_ =	strace $0xD0000000  }
0x3: {  	_ = 	snop  }
0x4: {  	_ = 	snop  }
0x5: {  	_ = 	snop  }
0x6: {  	_ = 	snop  }
0x7: {  	_ = 	snop  }
__scs_overlays_trampoline_lowered:
0x8: {  	[smem:$0x3FA7] =	sst s0  }
0x9: {  	[smem:$0x3FA8] =	sst s1  }
0xa: {  	[smem:$0x3FA9] =	sst s2  }
0xb: {  	[smem:$0x3FAA] =	sst s3  }
0xc: {  	[smem:$0x3FAB] =	sst s4  }
0xd: {  	[smem:$0x3FAC] =	sst s5  }
0xe: {  	[smem:$0x3FAD] =	sst s6  }
0xf: {  	[smem:$0x3FAE] =	sst s7  }
0x10: {  	[smem:$0x3FAF] =	sst s8  }
0x11: {  	[smem:$0x3FB0] =	sst s9;
	s0 =	simm.s32 @!p0 $0x0  }
0x12: {  	s1 =	sld [smem:$0x3F96];
	s0 =	simm.s32 @p0 $0x1  }
0x13: {  	[smem:$0x3FB1] =	sst s0;
	s0 =	simm.s32 @!p1 $0x0  }
0x14: {  	s2 =	sld [smem:$0x3F95];
	s0 =	simm.s32 @p1 $0x1  }
0x15: {  	[smem:$0x3FB2] =	sst s0;
	s0 =	simm.s32 @!p2 $0x0  }
0x16: {  	s3 =	sld [smem:$0x3FDB];
	s0 =	simm.s32 @p2 $0x1  }
0x17: {  	s4 =	simm.s32 $0x1BF5;
	[smem:$0x3FB4] =	sst s0  }
0x18: {  	s0 =	sld [smem:$0x3F97];
	_ =	swait.ge [sflag:s4], $0x0  }
0x19: {  	s7 =	sld [smem:$0x3F98]  }
0x1a: {  	s8 =	sadd.s32 $0xFFFFE003, lr  }
0x1b: {  	s9 =	sadd.s32 $0xFFFFFEF7, lr;
	s5 =	simm.s32 $0xFFFFFFFF;
	p2 =	slt.u32 s8, $0xFFFFF086  }
0x1c: {  	p1 =	slt.u32 s9, $0xF7A;
	s5 =	simm.s32 @!p2 $0x0  }
0x1d: {  	s5 =	simm.s32 @p1 $0x1;
	p0 =	seq.s32 s7, s2  }
0x1e: {  	s7 =	smul.u32 @!p0 $0xF7A, s2;
	p2 =	seq.s32 @!p0 s5, $0x0  }
0x1f: {  	s9 =	smul.u32 $0xF7A, s1;
	s8 =	simm.s32 @!p0 $0x1BF5;
	p2 =	por !p2, p0  }
0x20: {  	[sflag:s8] =	ssyncset.s32 @!p0 $0xFFFFF086;
	s6 =	sadd.s32 @!p0 s3, s7;
	s7 =	simm.s32 @!p0 $0x108  }
0x21: {  	s3 =	sadd.s32 s3, s9;
	s6 =	sadd.s32 @!p0 $0x88, s6;
	s7 =	simm.s32 @p2 $0x1082  }
0x22: {  	[simem:s7], [sflag:s8] =	dma.local @!p0 [hbm:s6], $0xF7A  }
0x23: {  	s9 =	sor.u32 $0xD0000000, s2;
	s6 =	simm.s32 $0x108;
	_ =	swait.ge @!p0 [sflag:s8], $0x0  }
0x24: {  	s3 =	sadd.s32 $0x88, s3;
	s6 =	simm.s32 @!p1 $0x1082;
	[sflag:s4] =	ssyncset.s32 $0xFFFFF086  }
0x25: {  	[simem:s6], [sflag:s4] =	dma.local [hbm:s3], $0xF7A  }
0x26: {  	[smem:$0x3F98] =	sst s1;
	(tag) =	ssettag s2;
	_ =	strace s9  }
0x27: {  	s1 =	sld [smem:$0x3FA8]  }
0x28: {  	s2 =	sld [smem:$0x3FA9]  }
0x29: {  	s4 =	sld [smem:$0x3FAB]  }
0x2a: {  	p0 =	seq.s32 s5, $0x0;
	s5 =	sld [smem:$0x3FAC]  }
0x2b: {  	s6 =	sld [smem:$0x3FAD]  }
0x2c: {  	s7 =	sld [smem:$0x3FAE]  }
0x2d: {  	s3 =	simm.s32 $0x108;
	s8 =	sld [smem:$0x3FAF]  }
0x2e: {  	s3 =	simm.s32 @!p0 $0x1082;
	s9 =	sld [smem:$0x3FB0]  }
0x2f: {  	lr =	sadd.s32 s0, s3;
	s0 =	sld [smem:$0x3FA7]  }
0x30: {  	s3 =	sld [smem:$0x3FAA]  }
0x31: {  	[smem:$0x3FB3] =	sst s10  }
0x32: {  	s10 =	sld [smem:$0x3FB1];
	_ =	sdelay $0x3  }
0x33: {  	p0 =	seq.s32 s10, $0x1;
	s10 =	sld [smem:$0x3FB3];
	_ =	sdelay $0x3  }
0x34: {  	[smem:$0x3FB3] =	sst s10  }
0x35: {  	s10 =	sld [smem:$0x3FB2];
	_ =	sdelay $0x3  }
0x36: {  	p1 =	seq.s32 s10, $0x1;
	s10 =	sld [smem:$0x3FB3];
	_ =	sdelay $0x3  }
0x37: {  	[smem:$0x3FB3] =	sst s10  }
0x38: {  	s10 =	sld [smem:$0x3FB4]  }
0x39: {  	_ = 	snop;
	(pc) =	sbr.ind lr, $3  }
0x3a: {  	_ = 	snop  }
0x3b: {  	_ = 	snop  }
0x3c: {  	p2 =	seq.s32 s10, $0x1;
	s10 =	sld [smem:$0x3FB3]  }
0x3d: {  	_ =	shalt  }
0x3e: {  	_ =	shalt  }
0x3f: {  	_ =	shalt  }
0x40: {  	_ =	shalt  }
0x41: {  	_ =	shalt  }
0x42: {  	_ =	shalt  }
0x43: {  	_ =	shalt  }
0x44: {  	_ =	shalt  }
0x45: {  	_ =	shalt  }
0x46: {  	_ =	shalt  }
0x47: {  	_ =	shalt  }
0x48: {  	_ =	shalt  }
0x49: {  	_ =	shalt  }
0x4a: {  	_ =	shalt  }
0x4b: {  	_ =	shalt  }
0x4c: {  	_ =	shalt  }
0x4d: {  	_ =	shalt  }
0x4e: {  	_ =	shalt  }
0x4f: {  	_ =	shalt  }
0x50: {  	_ =	shalt  }
0x51: {  	_ =	shalt  }
0x52: {  	_ =	shalt  }
0x53: {  	_ =	shalt  }
0x54: {  	_ =	shalt  }
0x55: {  	_ =	shalt  }
0x56: {  	_ =	shalt  }
0x57: {  	_ =	shalt  }
0x58: {  	_ =	shalt  }
0x59: {  	_ =	shalt  }
0x5a: {  	_ =	shalt  }
0x5b: {  	_ =	shalt  }
0x5c: {  	_ =	shalt  }
0x5d: {  	_ =	shalt  }
0x5e: {  	_ =	shalt  }
0x5f: {  	_ =	shalt  }
0x60: {  	_ =	shalt  }
0x61: {  	_ =	shalt  }
0x62: {  	_ =	shalt  }
0x63: {  	_ =	shalt  }
0x64: {  	_ =	shalt  }
0x65: {  	_ =	shalt  }
0x66: {  	_ =	shalt  }
0x67: {  	_ =	shalt  }
0x68: {  	_ =	shalt  }
0x69: {  	_ =	shalt  }
0x6a: {  	_ =	shalt  }
0x6b: {  	_ =	shalt  }
0x6c: {  	_ =	shalt  }
0x6d: {  	_ =	shalt  }
0x6e: {  	_ =	shalt  }
0x6f: {  	_ =	shalt  }
0x70: {  	_ =	shalt  }
0x71: {  	_ =	shalt  }
0x72: {  	_ =	shalt  }
0x73: {  	_ =	shalt  }
0x74: {  	_ =	shalt  }
0x75: {  	_ =	shalt  }
0x76: {  	_ =	shalt  }
0x77: {  	_ =	shalt  }
0x78: {  	_ =	shalt  }
0x79: {  	_ =	shalt  }
0x7a: {  	_ =	shalt  }
0x7b: {  	_ =	shalt  }
0x7c: {  	_ =	shalt  }
0x7d: {  	_ =	shalt  }
0x7e: {  	_ =	shalt  }
0x7f: {  	_ =	shalt  }
0x80: {  	_ =	shalt  }
0x81: {  	_ =	shalt  }
0x82: {  	_ =	shalt  }
0x83: {  	_ =	shalt  }
0x84: {  	_ =	shalt  }
0x85: {  	_ =	shalt  }
0x86: {  	_ =	shalt  }
0x87: {  	_ =	shalt  }
.Lfunc_end0:
.L_simem_size_0:
called_computation.1_lowered:
.L_overlay_start_0:
0x88: {  	s2 =	sld [smem:$0x3FD9]  }
0x89: {  	s3 =	sld [smem:$0x3FFE];
	_ =	sdelay $0x1  }
0x8a: {  	s1 =	srdreg.scid  }
0x8b: {  	s0 =	sand.u32 $0x1, s1  }
0x8c: {  	s16 =	sshll.u32 s0, $0xA;
	s2 =	sadd.s32 s3, s2  }
0x8d: {  	s2 =	sadd.s32 s2, s16  }
0x8e: {  	[smem:$0x3FBF] =	sst s2  }
0x8f: {  	_ = 	snop  }
0x90: {  	(tm) =	ssettm $0x1  }
0x91: {  	s17 =	sld [smem:$0x3FFB];
	_ =	sdelay $0x3  }
0x92: {  	_ =	strace s17  }
0x93: {  	s2 =	sld [smem:$0x3FFC];
	_ =	sdelay $0x3  }
0x94: {  	_ =	strace s2  }
0x95: {  	s2 =	sld [smem:$0x3FFD];
	_ =	sdelay $0x3  }
0x96: {  	_ =	strace s2  }
0x97: {  	_ =	strace $0x8FFFFFFF  }
0x98: {  	s18 =	sld [smem:$0x3FDB];
	_ =	sdelay $0x1  }
0x99: {  	s19 =	simm.s32 $_scs_section_size  }
0x9a: {  	s4 =	simm.s32 $_size__tile_overlayer_lowered;
	s5 =	simm.s32 $_tile_overlayer_lowered  }
0x9b: {  	s22 =	simm.s32 $0x1BFF;
	s21 =	sshll.u32 s5, $0x1;
	s2 =	sadd.s32 s19, s18  }
0x9c: {  	s6 =	simm.s32 $0x0;
	s20 =	sshll.u32 s4, $0x1;
	s4 =	sadd.s32 s21, s2  }
0x9d: {  	[timem:s6], [sflag:s22] =	dma.local [hbm:s4], s20  }
0x9e: {  	_ =	swait.ge [sflag:s22], s20  }
0x9f: {  	s3 =	ssub.s32 $0x0, s20;
	[sflag:s22] =	ssyncset.done $0x0  }
0xa0: {  	[sflag:s22] =	ssyncadd.s32 s3;
	_ =	sdelay $0x1  }
0xa1: {  	s23 =	simm.s32 $0x1B8B  }
0xa2: {  	_ =	swait.ge [sflag:s23], $0x1  }
0xa3: {  	[sflag:s23] =	ssyncset.done $0x0  }
0xa4: {  	s25 =	simm.s32 $0x1B8E;
	s24 =	sld [smem:$0x3FFE];
	[sflag:s23] =	ssyncadd.s32 $0xFFFFFFFF  }
0xa5: {  	s26 =	simm.s32 $execute0_lowered;
	[smem:$0x3FD2] =	sst s25  }
0xa6: {  	s4 =	sshll.u32 s26, $0x1;
	_ =	strace $0x80000049;
	[dreg:$0x1] =	wrdreg $0xFFFFFFFF  }
0xa7: {  	s28 =	simm.s32 $_size_execute0_lowered;
	s2 =	sadd.s32 s2, s4;
	[dreg:$0x0] =	wrdreg $0x0  }
0xa8: {  	s4 =	sshll.u32 s28, $0x1;
	[dreg:$0x2] =	wrdreg s2  }
0xa9: {  	[dreg:$0x3] =	wrdreg s4  }
0xaa: {  	[dreg:$0x4] =	wrdreg $0xC0  }
0xab: {  	_ =	task [dreg:s6], $0x5FFFF  }
0xac: {  	[dreg:$0x1] =	wrdreg $0xFFFFFFFF  }
0xad: {  	[dreg:$0x0] =	wrdreg $0x60  }
0xae: {  	[dreg:$0x2] =	wrdreg s24  }
0xaf: {  	[dreg:$0x3] =	wrdreg $0xBA000  }
0xb0: {  	[dreg:$0x4] =	wrdreg $0x9  }
0xb1: {  	_ =	task.clear_ibuf [dreg:s6], $0x5FFFF;
	_ =	strace $0x90000049  }
0xb2: {  	s29 =	simm.s32 $0x9;
	_ =	strace $0x8000004B  }
0xb3: {  	_ =	swait.ge [sflag:s29], $0x1  }
0xb4: {  	[sflag:s29] =	ssyncadd.s32 $0xFFFFFFFF  }
0xb5: {  	_ =	strace $0x9000004B  }
0xb6: {  	_ =	sfence  }
0xb7: {  	s30 =	sld [smem:$0x0];
	_ =	sdelay $0x2  }
0xb8: {  	s31 =	sshll.u32 s1, $0xD;
	s1 =	sshrl.u32 s1, $0x2  }
0xb9: {  	s3 =	sand.u32 $0x4000, s31;
	s1 =	sadd.s32 s1, s30  }
0xba: {  	s0 =	sor.u32 s3, s0;
	s1 =	sshll.u32 s1, $0x11  }
0xbb: {  	s0 =	sor.u32 s1, s0  }
0xbc: {  	s0 =	sadd.s32 $0x8F2B, s0  }
0xbd: {  	[sflag:s0] =	ssyncadd.remote.s32 $0x1  }
0xbe: {  	_ =	sfence.sel $0xFFFF  }
0xbf: {  	[dreg:$0x0] =	wrdreg $0xFFFFFFFF;
	(pc) =	sbr.abs _section_cstart, $3  }
0xc0: {  	[dreg:$0x1] =	wrdreg $0xFFFFFFFF  }
0xc1: {  	_ =	task.clear_ibuf [dreg:s6], $0x2FFFF;
	_ =	strace $0x9FFFFFFF  }
0xc2: {  	(tm) =	ssettm $0x7FFFFFFF  }
0xc3: {  	_ =	shalt  }
tec
execute0_lowered:
.L_overlay_start_1:
0x0: {  	(tag) =	ssettag $0x1  }
0x1: {  	s0 =	rddreg [dreg:$0x0]  }
0x2: {  	s1 =	rddreg [dreg:$0x1];
	s2 =	srdreg.scid  }
0x3: {  	s9 =	stileid.u32;
	s18 =	simm.s32 $0xB;
	s19 =	simm.s32 $0x80  }
0x4: {  	s20 =	simm.s32 $0x1;
	s21 =	simm.s32 $0x50;
	s28 =	simm.s32 $0x6  }
0x5: {  	s29 =	simm.s32 $0x4;
	s30 =	simm.s32 $0x7;
	s31 =	simm.s32 $0x8  }
0x6: {  	s17 =	simm.s32 $0x6A00;
	s7 =	sand.u32 $0x1, s2;
	s12 =	smul.u32 $0x4E000, s9  }
0x7: {  	s2 =	simm.s32 $0x0;
	s4 =	sadd.s32 $0x1E00, s0;
	s13 =	smul.u32 $0x2700, s9  }
0x8: {  	s14 =	sshll.u32 s9, $0x6;
	s16 =	sadd.s32 $0x138000, s1;
	p0 =	sne.s32 s9, $0x0  }
0x9: {  	s3 =	sshll.u32 s7, $0x4;
	[smem:$0x7FF] =	sst s2;
	s23 =	smul.u32 $0x138800, s7  }
0xa: {  	s8 =	ssub.s32 $0x2, s7;
	s7 =	smul.u32 $0x27100, s7;
	s16 =	sshrl.u32 @!p0 s16, $0x3  }
0xb: {  	s6 =	sor.u32 s9, s3;
	_ =	strace $0x8000004A;
	s3 =	sadd.s32 $0x1E400, s0  }
0xc: {  	s11 =	sshrl.u32 s8, $0x1;
	s22 =	sshrl.u32 s12, $0x2;
	[dreg:$0x3] =	wrdreg s14  }
0xd: {  	s9 =	simm.s32 $0x2;
	s5 =	sshll.u32 s6, $0xB;
	s11 =	ssub.s32 s8, s11  }
0xe: {  	s6 =	smul.u32 $0x2710, s6;
	s12 =	sadd.s32 s22, s1;
	s8 =	sor.u32 $0x1C0A, s14  }
0xf: {  	s14 =	sshrl.u32 s23, $0x3;
	s7 =	sadd.s32 s13, s7;
	s22 =	simm.s32 $0x4200  }
0x10: {  	s23 =	simm.s32 $0xA;
	s10 =	sadd.s32 s5, s0;
	s5 =	sadd.s32 $0x1BC00, s0  }
0x11: {  	s0 =	sadd.s32 $0x45600, s0;
	s15 =	sshrl.u32 s6, $0x3;
	s10 =	sadd.s32 $0xBC00, s10  }
0x12: {  	s25 =	sadd.s32 s0, s14;
	s0 =	sadd.s32 s0, s7;
	s14 =	smax.u32 s11, $0x1  }
.Ltmp0:
0x13: {  	s7 =	simm.s32 $0x0;
	[dreg:$0x4] =	wrdreg s10;
	(pc) =	sbr.rel .LBB2_1-.Ltmp0, $4  }
0x14: {  	s24 =	sadd.s32 s4, s15;
	[dreg:$0x7] =	wrdreg s0;
	s26 =	sadd.s32 $0x27000, s25  }
0x15: {  	s15 =	sshrl.u32 s12, $0x3;
	s25 =	simm.s32 $0x3;
	[dreg:$0x5] =	wrdreg s24  }
0x16: {  	s0 =	simm.s32 $0x5;
	s10 =	sadd.s32 $0xA, s24;
	[dreg:$0x8] =	wrdreg s26  }
0x17: {  	s24 =	simm.s32 $0x100;
	s26 =	simm.s32 $0x9200;
	[dreg:$0x6] =	wrdreg s10  }
.LBB2_21:
0x18: {  	_ =	swait.ge [sflag:s30], $0x2800  }
0x19: {  	[sflag:s30] =	ssyncset.done $0x0  }
0x1a: {  	[sflag:s30] =	ssyncadd.s32 $0xFFFFD800  }
0x1b: {  	_ =	swait.ge [sflag:s31], $0x2800  }
0x1c: {  	[sflag:s31] =	ssyncset.done $0x0  }
0x1d: {  	[sflag:s31] =	ssyncadd.s32 $0xFFFFD800  }
0x1e: {  	[bflag:$0x0] =	sbarrier.arrive $0xFFFF  }
0x1f: {  	s10 =	rddreg [dreg:$0x3]  }
0x20: {  	s11 =	rddreg [dreg:$0x7];
	s10 =	sor.u32 $0x1C0B, s10  }
0x21: {  	[hbm:s11], [sflag:s10] =	dma.local [spmem:s15], $0x2700  }
0x22: {  	_ =	swait.ge [sflag:s18], $0x2700  }
0x23: {  	s7 =	sadd.s32 $0x1, s7;
	[sflag:s18] =	ssyncset.done $0x0  }
0x24: {  	p1 =	sne.s32 s7, s14;
	s11 =	rddreg [dreg:$0x8];
	[sflag:s18] =	ssyncadd.s32 $0xFFFFD900  }
0x25: {  	[hbm:s11], [sflag:s10] =	dma.local @!p0 [spmem:s16], $0x100  }
.Ltmp1:
0x26: {  	_ = 	snop;
	(pc) =	sbr.rel @!p1 .LBB2_22-.Ltmp1, $4  }
0x27: {  	s10 =	simm.s32 @!p0 $0xB  }
0x28: {  	_ =	swait.ge @!p0 [sflag:s10], $0x100  }
0x29: {  	[sflag:s10] =	ssyncset.done @!p0 $0x0  }
0x2a: {  	[sflag:s10] =	ssyncadd.s32 @!p0 $0xFFFFFF00  }
.LBB2_1:
0x2b: {  	[spmem:s15], [sflag:s8] =	dma.local [hbm:s5], $0x2700  }
0x2c: {  	[spmem:s16], [sflag:s8] =	dma.local @!p0 [hbm:s5], $0x100  }
0x2d: {  	s11 =	simm.s32 $0x200;
	s10 =	rddreg [dreg:$0x4]  }
0x2e: {  	[tilespmem:s11], [sflag:$0xB] =	stream.linear.gather [hbm4b:s10+s2], $0x3E80, $0x38;
	[tilespmem:$0x1F280] =	vst v63  }
0x2f: {  	_ =	swait.ge [sflag:s18], $0x3E80  }
0x30: {  	[sflag:s18] =	ssyncset.done $0x0  }
0x31: {  	s12 =	rddreg [dreg:$0x5];
	[sflag:s18] =	ssyncadd.s32 $0xFFFFC180  }
0x32: {  	[tilespmem:s2], [sflag:$0x1] =	stream.linear.gather [hbm4b:s12+s2], $0x50, $0x38;
	[tilespmem:$0x1F280] =	vst v63  }
0x33: {  	s13 =	rddreg [dreg:$0x6]  }
0x34: {  	[tilespmem:s19], [sflag:$0x2] =	stream.linear.gather [hbm4b:s13+s2], $0x50, $0x38;
	[tilespmem:$0x1F280] =	vst v63  }
0x35: {  	_ =	swait.ge [sflag:s20], $0x50  }
0x36: {  	[sflag:s20] =	ssyncset.done $0x0  }
0x37: {  	[sflag:s20] =	ssyncadd.s32 $0xFFFFFFB0  }
0x38: {  	[tilespmem:s22], [sflag:$0x4] =	stream.indirect.gather [hbm4b:s3+s21], $0x80, s2, s21, $0xb8;
	[tilespmem:$0x1F280] =	vst v63  }
0x39: {  	_ =	swait.ge [sflag:s23], $0x2700  }
0x3a: {  	[sflag:s23] =	ssyncset.done $0x0  }
0x3b: {  	s11 =	simm.s32 @!p0 $0xA;
	[sflag:s23] =	ssyncadd.s32 $0xFFFFD900  }
.Ltmp2:
0x3c: {  	_ =	swait.ge @!p0 [sflag:s11], $0x100;
	(pc) =	sbr.rel .LBB2_2-.Ltmp2, $4  }
0x3d: {  	[sflag:s11] =	ssyncset.done @!p0 $0x0  }
0x3e: {  	[sflag:s11] =	ssyncadd.s32 @!p0 $0xFFFFFF00  }
0x3f: {  	[bflag:$0x0] =	sbarrier.arrive $0xFFFF  }
0x40: {  	s11 =	simm.s32 $0x0  }
.LBB2_19:
0x41: {  	_ =	swait.ge [sflag:s28], $0x2800;
	s10 =	sshll.u32 s11, $0x7  }
0x42: {  	[sflag:s28] =	ssyncset.done $0x0;
	s10 =	sand.u32 $0x3FFFFF80, s10  }
0x43: {  	[sflag:s28] =	ssyncadd.s32 $0xFFFFD800;
	s10 =	sadd.s32 $0x200, s10  }
0x44: {  	[spmem:s1] =	stream.indirect.scatter.add.f32 [tilespmem:s26], [sflag:$0x9], $0x80, s10, s21, $0xb8;
	[tilespmem:$0x1F280] =	vst v63  }
.LBB2_20:
0x45: {  	p1 =	slt.u32 s12, $0x7D  }
.Ltmp3:
0x46: {  	_ = 	snop;
	(pc) =	sbr.rel @!p1 .LBB2_21-.Ltmp3, $2  }
0x47: {  	_ =	sdelay $0x2  }
0x48: {  	s11 =	smov.u32 s12  }
.LBB2_2:
0x49: {  	p1 =	sgt.u32 s11, $0x7A  }
.Ltmp4:
0x4a: {  	_ = 	snop;
	(pc) =	sbr.rel @p1 .LBB2_17-.Ltmp4, $1  }
0x4b: {  	_ =	sdelay $0x3  }
0x4c: {  	s12 =	sadd.s32 $0x2, s11  }
0x4d: {  	s13 =	smul.u32 $0xAB, s12;
	_ =	sdelay $0x1  }
0x4e: {  	s13 =	sshrl.u32 s13, $0x9  }
0x4f: {  	s13 =	sand.u32 $0x7F, s13  }
0x50: {  	s13 =	smul.u32 $0x3, s13;
	_ =	sdelay $0x1  }
0x51: {  	s10 =	smul.u32 $0x50, s12;
	s12 =	ssub.s32 s12, s13  }
0x52: {  	s13 =	sand.u32 $0xFF, s12  }
0x53: {  	p1 =	seq.s32 s13, $0x2  }
.Ltmp5:
0x54: {  	_ = 	snop;
	(pc) =	sbr.rel @p1 .LBB2_5-.Ltmp5, $4  }
0x55: {  	_ = 	snop  }
0x56: {  	s10 =	sadd.s32 s6, s10  }
0x57: {  	s10 =	sshrl.u32 s10, $0x3  }
0x58: {  	s12 =	sadd.s32 s4, s10  }
.Ltmp6:
0x59: {  	(pc) =	sbr.rel .LBB2_6-.Ltmp6, $4  }
0x5a: {  	p1 =	seq.s32 s13, $0x1  }
0x5b: {  	[tilespmem:s19], [sflag:$0x2] =	stream.linear.gather @p1 [hbm4b:s12+s2], $0x50, $0x38;
	[tilespmem:$0x1F280] =	vst v63  }
0x5c: {  	_ = 	snop  }
0x5d: {  	[tilespmem:s2], [sflag:$0x1] =	stream.linear.gather @!p1 [hbm4b:s12+s2], $0x50, $0x38;
	[tilespmem:$0x1F280] =	vst v63  }
.LBB2_17:
0x5e: {  	p1 =	seq.s32 s11, $0x7C  }
.Ltmp7:
0x5f: {  	_ = 	snop;
	(pc) =	sbr.rel @!p1 .LBB2_10-.Ltmp7, $4  }
.Ltmp8:
0x60: {  	_ = 	snop;
	(pc) =	sbr.rel @p1 .LBB2_18-.Ltmp8, $4  }
0x61: {  	_ = 	snop  }
0x62: {  	_ = 	snop  }
0x63: {  	s12 =	simm.s32 $0x7C;
	s13 =	simm.s32 $0x7D  }
0x64: {  	_ = 	snop  }
.LBB2_5:
0x65: {  	[tilespmem:s24], [sflag:$0x3] =	stream.linear.gather [hbm4b:s12+s2], $0x50, $0x38;
	[tilespmem:$0x1F280] =	vst v63  }
.LBB2_6:
0x66: {  	s12 =	sadd.s32 $0x1, s11  }
0x67: {  	s10 =	smul.u32 $0xAB, s12;
	_ =	sdelay $0x1  }
0x68: {  	s10 =	sshrl.u32 s10, $0x9  }
0x69: {  	s10 =	sand.u32 $0x7F, s10  }
0x6a: {  	s10 =	smul.u32 $0x3, s10;
	_ =	sdelay $0x1  }
0x6b: {  	s10 =	ssub.s32 s12, s10  }
0x6c: {  	s13 =	sand.u32 $0xFF, s10  }
0x6d: {  	p1 =	seq.s32 s13, $0x2  }
.Ltmp9:
0x6e: {  	_ = 	snop;
	(pc) =	sbr.rel @p1 .LBB2_12-.Ltmp9, $1  }
0x6f: {  	_ =	sdelay $0x3  }
0x70: {  	p1 =	seq.s32 s13, $0x1  }
.Ltmp10:
0x71: {  	_ = 	snop;
	(pc) =	sbr.rel @!p1 .LBB2_8-.Ltmp10, $1  }
0x72: {  	_ =	sdelay $0x3  }
0x73: {  	p1 =	slt.u32 s11, $0x2  }
.Ltmp11:
0x74: {  	_ = 	snop;
	(pc) =	sbr.rel @p1 .LBB2_11-.Ltmp11, $1  }
0x75: {  	_ =	sdelay $0x3  }
.LBB2_10:
0x76: {  	_ =	swait.ge [sflag:s31], $0x2800  }
0x77: {  	[sflag:s31] =	ssyncset.done $0x0  }
0x78: {  	[sflag:s31] =	ssyncadd.s32 $0xFFFFD800  }
.LBB2_11:
.Ltmp12:
0x79: {  	(pc) =	sbr.rel .LBB2_13-.Ltmp12, $4  }
0x7a: {  	_ =	swait.ge [sflag:s9], $0x50  }
0x7b: {  	[sflag:s9] =	ssyncset.done $0x0  }
0x7c: {  	[sflag:s9] =	ssyncadd.s32 $0xFFFFFFB0  }
0x7d: {  	[tilespmem:s17], [sflag:$0x5] =	stream.indirect.gather [hbm4b:s3+s21], $0x80, s19, s21, $0xb8;
	[tilespmem:$0x1F280] =	vst v63  }
.LBB2_12:
0x7e: {  	p1 =	slt.u32 s11, $0x2  }
0x7f: {  	s10 =	simm.s32 @!p1 $0x9  }
0x80: {  	_ =	swait.ge @!p1 [sflag:s10], $0x2800  }
0x81: {  	[sflag:s10] =	ssyncset.done @!p1 $0x0  }
.Ltmp13:
0x82: {  	[sflag:s10] =	ssyncadd.s32 @!p1 $0xFFFFD800;
	(pc) =	sbr.rel .LBB2_13-.Ltmp13, $4  }
0x83: {  	_ =	swait.ge [sflag:s25], $0x50  }
0x84: {  	[sflag:s25] =	ssyncset.done $0x0  }
0x85: {  	[sflag:s25] =	ssyncadd.s32 $0xFFFFFFB0  }
0x86: {  	[tilespmem:s26], [sflag:$0x6] =	stream.indirect.gather [hbm4b:s3+s21], $0x80, s24, s21, $0xb8;
	[tilespmem:$0x1F280] =	vst v63  }
.LBB2_8:
0x87: {  	p1 =	slt.u32 s11, $0x2  }
0x88: {  	s10 =	simm.s32 @!p1 $0x7  }
0x89: {  	_ =	swait.ge @!p1 [sflag:s10], $0x2800  }
0x8a: {  	[sflag:s10] =	ssyncset.done @!p1 $0x0  }
0x8b: {  	[sflag:s10] =	ssyncadd.s32 @!p1 $0xFFFFD800  }
0x8c: {  	_ =	swait.ge [sflag:s20], $0x50  }
0x8d: {  	[sflag:s20] =	ssyncset.done $0x0  }
0x8e: {  	[sflag:s20] =	ssyncadd.s32 $0xFFFFFFB0  }
0x8f: {  	[tilespmem:s22], [sflag:$0x4] =	stream.indirect.gather [hbm4b:s3+s21], $0x80, s2, s21, $0xb8;
	[tilespmem:$0x1F280] =	vst v63  }
.LBB2_13:
0x90: {  	s10 =	smul.u32 $0xAB, s11;
	_ =	sdelay $0x1  }
0x91: {  	s10 =	sshrl.u32 s10, $0x9  }
0x92: {  	s10 =	sand.u32 $0x7F, s10  }
0x93: {  	s10 =	smul.u32 $0x3, s10;
	_ =	sdelay $0x1  }
0x94: {  	s10 =	ssub.s32 s11, s10  }
0x95: {  	s13 =	sand.u32 $0xFF, s10  }
0x96: {  	p1 =	seq.s32 s13, $0x2  }
.Ltmp14:
0x97: {  	_ = 	snop;
	(pc) =	sbr.rel @p1 .LBB2_19-.Ltmp14, $1  }
0x98: {  	_ =	sdelay $0x3  }
0x99: {  	p1 =	seq.s32 s13, $0x1  }
.Ltmp15:
0x9a: {  	_ = 	snop;
	(pc) =	sbr.rel @!p1 .LBB2_16-.Ltmp15, $1  }
0x9b: {  	_ =	sdelay $0x3  }
0x9c: {  	s13 =	smov.u32 s12  }
.LBB2_18:
.Ltmp16:
0x9d: {  	(pc) =	sbr.rel .LBB2_20-.Ltmp16, $4  }
0x9e: {  	_ =	swait.ge [sflag:s0], $0x2800;
	s10 =	sshll.u32 s11, $0x7  }
0x9f: {  	[sflag:s0] =	ssyncset.done $0x0;
	s10 =	sand.u32 $0x3FFFFF80, s10  }
0xa0: {  	s12 =	smov.u32 s13;
	[sflag:s0] =	ssyncadd.s32 $0xFFFFD800;
	s10 =	sadd.s32 $0x200, s10  }
0xa1: {  	[spmem:s1] =	stream.indirect.scatter.add.f32 [tilespmem:s17], [sflag:$0x8], $0x80, s10, s21, $0xb8;
	[tilespmem:$0x1F280] =	vst v63  }
.LBB2_16:
.Ltmp17:
0xa2: {  	(pc) =	sbr.rel .LBB2_20-.Ltmp17, $4  }
0xa3: {  	_ =	swait.ge [sflag:s29], $0x2800;
	s10 =	sshll.u32 s11, $0x7  }
0xa4: {  	[sflag:s29] =	ssyncset.done $0x0;
	s10 =	sand.u32 $0x3FFFFF80, s10  }
0xa5: {  	[sflag:s29] =	ssyncadd.s32 $0xFFFFD800;
	s10 =	sadd.s32 $0x200, s10  }
0xa6: {  	[spmem:s1] =	stream.indirect.scatter.add.f32 [tilespmem:s22], [sflag:$0x7], $0x80, s10, s21, $0xb8;
	[tilespmem:$0x1F280] =	vst v63  }
.LBB2_22:
0xa7: {  	_ =	sfence.sel $0x180000  }
0xa8: {  	[bflag:$0x0] =	sbarrier.arrive $0xFFFF  }
0xa9: {  	_ =	strace $0x9000004A  }
0xaa: {  	[bflag:$0x2] =	sbarrier.arrive $0xFFFF  }
0xab: {  	s0 =	rddreg [dreg:$0x2]  }
0xac: {  	s0 =	sadd.s32 @!p0 $0x100000, s0  }
0xad: {  	[sflag:s0] =	ssyncadd.tile.s32 @!p0 $0x1;
	_ =	shalt  }
.Lfunc_end2:
_tile_overlayer_lowered:
.L_overlay_start_2:
0xae: {  	(tag) =	ssettag $0x2  }
0xaf: {  	s0 =	rddreg [dreg:$0x0];
	s2 =	stileid.u32  }
0xb0: {  	s1 =	rddreg [dreg:$0x1];
	p0 =	sne.s32 s2, $0x0  }
0xb1: {  	s3 =	rddreg [dreg:$0x2];
	[bflag:$0x3] =	sbarrier.arrive $0xFFFF;
	s2 =	simm.s32 @!p0 $0x1C0B  }
0xb2: {  	[timem:s3], [sflag:s2] =	dma.local @!p0 [hbm:s0], s1  }
0xb3: {  	s0 =	simm.s32 @!p0 $0xB  }
0xb4: {  	_ =	swait.ge @!p0 [sflag:s0], s1  }
0xb5: {  	s1 =	ssub.s32 @!p0 $0x0, s1;
	[sflag:s0] =	ssyncset.done @!p0 $0x0  }
0xb6: {  	[sflag:s0] =	ssyncadd.s32 @!p0 s1  }
0xb7: {  	[bflag:$0x3] =	sbarrier.arrive $0xFFFF  }
0xb8: {  	_ =	shalt  }

</sc_bundles>
